<compile_context>
chip_gen: v7x
topology: tpu7x:2x2x1
jax: 0.10.2.dev20260603
libtpu: 0.0.44.dev20260713+nightly
codegen_flags: <defaults>
</compile_context>

<pallas_src>
import functools

import jax
import jax.numpy as jnp
from jax import lax
from jax.experimental import pallas as pl
from jax.experimental.pallas import tpu as pltpu
from jax.experimental.pallas import tpu_sc as plsc


def _make_gather(n, v, d, nc, ns):
    nw = nc * ns
    per_w = n // nw
    ch = 64
    n_ch = per_w // ch
    nbuf = 10
    ngrp = nbuf // 5
    assert n_ch % nbuf == 0

    mesh = plsc.VectorSubcoreMesh(core_axis_name="c", subcore_axis_name="s")

    @functools.partial(
        pl.kernel,
        out_type=jax.ShapeDtypeStruct((n, d), jnp.float32),
        mesh=mesh,
        scratch_types=(
            [pltpu.VMEM((n_ch, ch), jnp.int32),
             pltpu.VMEM((ngrp, 5 * ch, d), jnp.float32)]
            + [pltpu.SemaphoreType.DMA] * (nbuf + ngrp)
        ),
    )
    def k(ids_hbm, table_hbm, out_hbm, idx_v, bufs, *sems):
        gsem = sems[:nbuf]
        ssem = sems[nbuf:]
        wid = lax.axis_index("s") * nc + lax.axis_index("c")
        base = wid * per_w
        pltpu.sync_copy(ids_hbm.at[wid], idx_v)

        def gather(p, h, j):
            pltpu.async_copy(table_hbm.at[idx_v.at[j]],
                             bufs.at[p, pl.ds(h * ch, ch)], gsem[5 * p + h])

        def gwait(p, h, j):
            pltpu.make_async_copy(table_hbm.at[idx_v.at[j]],
                                  bufs.at[p, pl.ds(h * ch, ch)],
                                  gsem[5 * p + h]).wait()

        def store(p, j):
            pltpu.async_copy(bufs.at[p], out_hbm.at[pl.ds(base + j * ch, 5 * ch)],
                             ssem[p])

        def swait(p, j):
            pltpu.make_async_copy(bufs.at[p],
                                  out_hbm.at[pl.ds(base + j * ch, 5 * ch)],
                                  ssem[p]).wait()

        for p in range(ngrp):
            for h in range(5):
                gather(p, h, 5 * p + h)

        def body(g, carry):
            c0 = g * nbuf
            for p in range(ngrp):
                for h in range(5):
                    gwait(p, h, c0 + 5 * p + h)
                store(p, c0 + 5 * p)
            for p in range(ngrp):
                swait(p, c0 + 5 * p)
                for h in range(5):
                    @pl.when(c0 + 5 * p + h + nbuf < n_ch)
                    def _():
                        gather(p, h, c0 + 5 * p + h + nbuf)

            return carry

        lax.fori_loop(0, n_ch // nbuf, body, 0)

    return k


def kernel(tok_ids, table):
    b, l = tok_ids.shape
    v, d = table.shape
    n = b * l
    nc, ns = 2, 16
    ids = tok_ids.reshape(nc * ns, n // (nc * ns) // 64, 64)
    out = _make_gather(n, v, d, nc, ns)(ids, table)
    return out.reshape(b, l, d)

# --- scband reference (transcript-rebuilt; emitter-appended) ---
"""Pipeline reference for scband-basic-embedder-34608846471253 (READ-ONLY COPY).

The authoritative reference and input builder live on the scoring server;
editing this copy changes nothing except your own understanding.
"""

import jax, jax.numpy as jnp
import numpy as np

VOCAB = 100000
DIM = 128
B = 1024
L = 200
PAD_ID = 0


def setup_inputs(seed: int = 0) -> dict:
    key = jax.random.key(seed)
    k1, k2 = jax.random.split(key)
    tok_ids = jax.random.randint(k1, (B, L), 0, VOCAB, dtype=jnp.int32)
    table = jax.random.normal(k2, (VOCAB, DIM), dtype=jnp.float32)
    # nn.Embedding with padding_idx zero-initializes the padding row
    table = table.at[PAD_ID].set(0.0)
    return {"tok_ids": tok_ids, "table": table}


def reference(tok_ids, table):
    # BasicEmbedder.forward: pad/convert token ids (already dense int tensor here),
    # then nn.Embedding lookup -> (B, L, E)
    embs = jnp.take(table, tok_ids, axis=0)
    return embs

if __name__ == "__main__":
    import jax
    _d = setup_inputs()
    print(jax.jit(kernel)(*tuple(_d.values())))

</pallas_src>

<mosaic_0001>
#map = affine_map<(d0, d1) -> (0, 0, 0)>
#map1 = affine_map<(d0, d1) -> (0, 0)>
module attributes {stable_mosaic.version = 14 : i64} {
  func.func @k(%arg0: i32, %arg1: i32, %arg2: memref<32x100x64xi32, #tpu.memory_space<hbm>>, %arg3: memref<100000x128xf32, #tpu.memory_space<hbm>>, %arg4: memref<204800x128xf32, #tpu.memory_space<hbm>>, %arg5: memref<100x64xi32, #tpu.memory_space<vmem>>, %arg6: memref<2x320x128xf32, #tpu.memory_space<vmem>>, %arg7: memref<!tpu.dma_semaphore, #tpu.memory_space<semaphore_mem>>, %arg8: memref<!tpu.dma_semaphore, #tpu.memory_space<semaphore_mem>>, %arg9: memref<!tpu.dma_semaphore, #tpu.memory_space<semaphore_mem>>, %arg10: memref<!tpu.dma_semaphore, #tpu.memory_space<semaphore_mem>>, %arg11: memref<!tpu.dma_semaphore, #tpu.memory_space<semaphore_mem>>, %arg12: memref<!tpu.dma_semaphore, #tpu.memory_space<semaphore_mem>>, %arg13: memref<!tpu.dma_semaphore, #tpu.memory_space<semaphore_mem>>, %arg14: memref<!tpu.dma_semaphore, #tpu.memory_space<semaphore_mem>>, %arg15: memref<!tpu.dma_semaphore, #tpu.memory_space<semaphore_mem>>, %arg16: memref<!tpu.dma_semaphore, #tpu.memory_space<semaphore_mem>>, %arg17: memref<!tpu.dma_semaphore, #tpu.memory_space<semaphore_mem>>, %arg18: memref<!tpu.dma_semaphore, #tpu.memory_space<semaphore_mem>>) attributes {dimension_semantics = [#tpu.dimension_semantics<core_parallel>, #tpu.dimension_semantics<subcore_parallel>], iteration_bounds = array<i64: 2, 16>, scalar_prefetch = 0 : i64, scratch_operands = 14 : i64, tpu.core_type = #tpu.core_type<sc_vector_subcore>, window_params = [{transform_indices = #map}, {transform_indices = #map1}, {transform_indices = #map1}]} {
    %mul3A = arith.constant 2 : i32
    %mul3A_0 = arith.muli %arg1, %mul3A : i32
    %add3A = arith.addi %mul3A_0, %arg0 : i32
    %mul3A_1 = arith.constant 6400 : i32
    %mul3A_2 = arith.muli %add3A, %mul3A_1 : i32
    "tpu.region"() ({
      %run_scoped3A = tpu.sem_alloc : memref<!tpu.dma_semaphore, #tpu.memory_space<semaphore_mem>>
      %dma_start3A_127 = arith.constant 0 : i32
      %dma_start3A_128 = arith.constant 0 : i32
      %dma_start3A_129 = tpu.memref_slice %arg2[%add3A, %dma_start3A_127, %dma_start3A_128] : memref<32x100x64xi32, #tpu.memory_space<hbm>> -> memref<1x100x64xi32, #tpu.memory_space<hbm>>
      %dma_start3A_130 = tpu.memref_squeeze %dma_start3A_129 : memref<1x100x64xi32, #tpu.memory_space<hbm>> -> memref<100x64xi32, #tpu.memory_space<hbm>>
      %dma_start3A_131 = arith.constant 0 : i32
      %dma_start3A_132 = arith.constant 0 : i32
      %dma_start3A_133 = tpu.memref_slice %arg2[%add3A, %dma_start3A_131, %dma_start3A_132] : memref<32x100x64xi32, #tpu.memory_space<hbm>> -> memref<1x100x64xi32, #tpu.memory_space<hbm>>
      %dma_start3A_134 = tpu.memref_squeeze %dma_start3A_133 : memref<1x100x64xi32, #tpu.memory_space<hbm>> -> memref<100x64xi32, #tpu.memory_space<hbm>>
      tpu.enqueue_dma source(%dma_start3A_134 : memref<100x64xi32, #tpu.memory_space<hbm>>) target(%arg5 : memref<100x64xi32, #tpu.memory_space<vmem>>) target_semaphore(%run_scoped3A : memref<!tpu.dma_semaphore, #tpu.memory_space<semaphore_mem>>)
      %dma_wait3A = arith.constant 0 : i32
      %dma_wait3A_135 = arith.constant 0 : i32
      %dma_wait3A_136 = tpu.memref_slice %arg2[%add3A, %dma_wait3A, %dma_wait3A_135] : memref<32x100x64xi32, #tpu.memory_space<hbm>> -> memref<1x100x64xi32, #tpu.memory_space<hbm>>
      %dma_wait3A_137 = tpu.memref_squeeze %dma_wait3A_136 : memref<1x100x64xi32, #tpu.memory_space<hbm>> -> memref<100x64xi32, #tpu.memory_space<hbm>>
      %dma_wait3A_138 = arith.constant 0 : i32
      %dma_wait3A_139 = arith.constant 0 : i32
      %dma_wait3A_140 = tpu.memref_slice %arg2[%add3A, %dma_wait3A_138, %dma_wait3A_139] : memref<32x100x64xi32, #tpu.memory_space<hbm>> -> memref<1x100x64xi32, #tpu.memory_space<hbm>>
      %dma_wait3A_141 = tpu.memref_squeeze %dma_wait3A_140 : memref<1x100x64xi32, #tpu.memory_space<hbm>> -> memref<100x64xi32, #tpu.memory_space<hbm>>
      tpu.wait_dma2 semaphore(%run_scoped3A : memref<!tpu.dma_semaphore, #tpu.memory_space<semaphore_mem>>) src(%dma_wait3A_141 : memref<100x64xi32, #tpu.memory_space<hbm>>) dst(%arg5 : memref<100x64xi32, #tpu.memory_space<vmem>>)
      tpu.yield
    }) : () -> ()
    %dma_start3A = arith.constant 0 : i32
    %dma_start3A_3 = arith.constant 0 : i32
    %dma_start3A_4 = arith.constant 0 : i32
    %dma_start3A_5 = arith.constant 0 : i32
    %dma_start3A_6 = tpu.memref_slice %arg6[%dma_start3A_3, %dma_start3A_4, %dma_start3A_5] : memref<2x320x128xf32, #tpu.memory_space<vmem>> -> memref<1x64x128xf32, #tpu.memory_space<vmem>>
    %dma_start3A_7 = tpu.memref_squeeze %dma_start3A_6 : memref<1x64x128xf32, #tpu.memory_space<vmem>> -> memref<64x128xf32, #tpu.memory_space<vmem>>
    %dma_start3A_8 = arith.constant 0 : i32
    %dma_start3A_9 = tpu.memref_slice %arg5[%dma_start3A, %dma_start3A_8] : memref<100x64xi32, #tpu.memory_space<vmem>> -> memref<1x64xi32, #tpu.memory_space<vmem>>
    %dma_start3A_10 = tpu.memref_squeeze %dma_start3A_9 : memref<1x64xi32, #tpu.memory_space<vmem>> -> memref<64xi32, #tpu.memory_space<vmem>>
    %dma_start3A_11 = arith.constant 0 : i32
    %dma_start3A_12 = arith.constant 0 : i32
    %dma_start3A_13 = tpu.memref_slice %arg3[%dma_start3A_11, %dma_start3A_12] : memref<100000x128xf32, #tpu.memory_space<hbm>> -> memref<100000x128xf32, #tpu.memory_space<hbm>>
    tpu.enqueue_indirect_dma source(%dma_start3A_13 : memref<100000x128xf32, #tpu.memory_space<hbm>>) target(%dma_start3A_7 : memref<64x128xf32, #tpu.memory_space<vmem>>) offsets(%dma_start3A_10 : memref<64xi32, #tpu.memory_space<vmem>>) semaphore(%arg7 : memref<!tpu.dma_semaphore, #tpu.memory_space<semaphore_mem>>)
    %dma_start3A_14 = arith.constant 1 : i32
    %dma_start3A_15 = arith.constant 0 : i32
    %dma_start3A_16 = arith.constant 64 : i32
    %dma_start3A_17 = arith.constant 0 : i32
    %dma_start3A_18 = tpu.memref_slice %arg6[%dma_start3A_15, %dma_start3A_16, %dma_start3A_17] : memref<2x320x128xf32, #tpu.memory_space<vmem>> -> memref<1x64x128xf32, #tpu.memory_space<vmem>>
    %dma_start3A_19 = tpu.memref_squeeze %dma_start3A_18 : memref<1x64x128xf32, #tpu.memory_space<vmem>> -> memref<64x128xf32, #tpu.memory_space<vmem>>
    %dma_start3A_20 = arith.constant 0 : i32
    %dma_start3A_21 = tpu.memref_slice %arg5[%dma_start3A_14, %dma_start3A_20] : memref<100x64xi32, #tpu.memory_space<vmem>> -> memref<1x64xi32, #tpu.memory_space<vmem>>
    %dma_start3A_22 = tpu.memref_squeeze %dma_start3A_21 : memref<1x64xi32, #tpu.memory_space<vmem>> -> memref<64xi32, #tpu.memory_space<vmem>>
    %dma_start3A_23 = arith.constant 0 : i32
    %dma_start3A_24 = arith.constant 0 : i32
    %dma_start3A_25 = tpu.memref_slice %arg3[%dma_start3A_23, %dma_start3A_24] : memref<100000x128xf32, #tpu.memory_space<hbm>> -> memref<100000x128xf32, #tpu.memory_space<hbm>>
    tpu.enqueue_indirect_dma source(%dma_start3A_25 : memref<100000x128xf32, #tpu.memory_space<hbm>>) target(%dma_start3A_19 : memref<64x128xf32, #tpu.memory_space<vmem>>) offsets(%dma_start3A_22 : memref<64xi32, #tpu.memory_space<vmem>>) semaphore(%arg8 : memref<!tpu.dma_semaphore, #tpu.memory_space<semaphore_mem>>)
    %dma_start3A_26 = arith.constant 2 : i32
    %dma_start3A_27 = arith.constant 0 : i32
    %dma_start3A_28 = arith.constant 128 : i32
    %dma_start3A_29 = arith.constant 0 : i32
    %dma_start3A_30 = tpu.memref_slice %arg6[%dma_start3A_27, %dma_start3A_28, %dma_start3A_29] : memref<2x320x128xf32, #tpu.memory_space<vmem>> -> memref<1x64x128xf32, #tpu.memory_space<vmem>>
    %dma_start3A_31 = tpu.memref_squeeze %dma_start3A_30 : memref<1x64x128xf32, #tpu.memory_space<vmem>> -> memref<64x128xf32, #tpu.memory_space<vmem>>
    %dma_start3A_32 = arith.constant 0 : i32
    %dma_start3A_33 = tpu.memref_slice %arg5[%dma_start3A_26, %dma_start3A_32] : memref<100x64xi32, #tpu.memory_space<vmem>> -> memref<1x64xi32, #tpu.memory_space<vmem>>
    %dma_start3A_34 = tpu.memref_squeeze %dma_start3A_33 : memref<1x64xi32, #tpu.memory_space<vmem>> -> memref<64xi32, #tpu.memory_space<vmem>>
    %dma_start3A_35 = arith.constant 0 : i32
    %dma_start3A_36 = arith.constant 0 : i32
    %dma_start3A_37 = tpu.memref_slice %arg3[%dma_start3A_35, %dma_start3A_36] : memref<100000x128xf32, #tpu.memory_space<hbm>> -> memref<100000x128xf32, #tpu.memory_space<hbm>>
    tpu.enqueue_indirect_dma source(%dma_start3A_37 : memref<100000x128xf32, #tpu.memory_space<hbm>>) target(%dma_start3A_31 : memref<64x128xf32, #tpu.memory_space<vmem>>) offsets(%dma_start3A_34 : memref<64xi32, #tpu.memory_space<vmem>>) semaphore(%arg9 : memref<!tpu.dma_semaphore, #tpu.memory_space<semaphore_mem>>)
    %dma_start3A_38 = arith.constant 3 : i32
    %dma_start3A_39 = arith.constant 0 : i32
    %dma_start3A_40 = arith.constant 192 : i32
    %dma_start3A_41 = arith.constant 0 : i32
    %dma_start3A_42 = tpu.memref_slice %arg6[%dma_start3A_39, %dma_start3A_40, %dma_start3A_41] : memref<2x320x128xf32, #tpu.memory_space<vmem>> -> memref<1x64x128xf32, #tpu.memory_space<vmem>>
    %dma_start3A_43 = tpu.memref_squeeze %dma_start3A_42 : memref<1x64x128xf32, #tpu.memory_space<vmem>> -> memref<64x128xf32, #tpu.memory_space<vmem>>
    %dma_start3A_44 = arith.constant 0 : i32
    %dma_start3A_45 = tpu.memref_slice %arg5[%dma_start3A_38, %dma_start3A_44] : memref<100x64xi32, #tpu.memory_space<vmem>> -> memref<1x64xi32, #tpu.memory_space<vmem>>
    %dma_start3A_46 = tpu.memref_squeeze %dma_start3A_45 : memref<1x64xi32, #tpu.memory_space<vmem>> -> memref<64xi32, #tpu.memory_space<vmem>>
    %dma_start3A_47 = arith.constant 0 : i32
    %dma_start3A_48 = arith.constant 0 : i32
    %dma_start3A_49 = tpu.memref_slice %arg3[%dma_start3A_47, %dma_start3A_48] : memref<100000x128xf32, #tpu.memory_space<hbm>> -> memref<100000x128xf32, #tpu.memory_space<hbm>>
    tpu.enqueue_indirect_dma source(%dma_start3A_49 : memref<100000x128xf32, #tpu.memory_space<hbm>>) target(%dma_start3A_43 : memref<64x128xf32, #tpu.memory_space<vmem>>) offsets(%dma_start3A_46 : memref<64xi32, #tpu.memory_space<vmem>>) semaphore(%arg10 : memref<!tpu.dma_semaphore, #tpu.memory_space<semaphore_mem>>)
    %dma_start3A_50 = arith.constant 4 : i32
    %dma_start3A_51 = arith.constant 0 : i32
    %dma_start3A_52 = arith.constant 256 : i32
    %dma_start3A_53 = arith.constant 0 : i32
    %dma_start3A_54 = tpu.memref_slice %arg6[%dma_start3A_51, %dma_start3A_52, %dma_start3A_53] : memref<2x320x128xf32, #tpu.memory_space<vmem>> -> memref<1x64x128xf32, #tpu.memory_space<vmem>>
    %dma_start3A_55 = tpu.memref_squeeze %dma_start3A_54 : memref<1x64x128xf32, #tpu.memory_space<vmem>> -> memref<64x128xf32, #tpu.memory_space<vmem>>
    %dma_start3A_56 = arith.constant 0 : i32
    %dma_start3A_57 = tpu.memref_slice %arg5[%dma_start3A_50, %dma_start3A_56] : memref<100x64xi32, #tpu.memory_space<vmem>> -> memref<1x64xi32, #tpu.memory_space<vmem>>
    %dma_start3A_58 = tpu.memref_squeeze %dma_start3A_57 : memref<1x64xi32, #tpu.memory_space<vmem>> -> memref<64xi32, #tpu.memory_space<vmem>>
    %dma_start3A_59 = arith.constant 0 : i32
    %dma_start3A_60 = arith.constant 0 : i32
    %dma_start3A_61 = tpu.memref_slice %arg3[%dma_start3A_59, %dma_start3A_60] : memref<100000x128xf32, #tpu.memory_space<hbm>> -> memref<100000x128xf32, #tpu.memory_space<hbm>>
    tpu.enqueue_indirect_dma source(%dma_start3A_61 : memref<100000x128xf32, #tpu.memory_space<hbm>>) target(%dma_start3A_55 : memref<64x128xf32, #tpu.memory_space<vmem>>) offsets(%dma_start3A_58 : memref<64xi32, #tpu.memory_space<vmem>>) semaphore(%arg11 : memref<!tpu.dma_semaphore, #tpu.memory_space<semaphore_mem>>)
    %dma_start3A_62 = arith.constant 5 : i32
    %dma_start3A_63 = arith.constant 1 : i32
    %dma_start3A_64 = arith.constant 0 : i32
    %dma_start3A_65 = arith.constant 0 : i32
    %dma_start3A_66 = tpu.memref_slice %arg6[%dma_start3A_63, %dma_start3A_64, %dma_start3A_65] : memref<2x320x128xf32, #tpu.memory_space<vmem>> -> memref<1x64x128xf32, #tpu.memory_space<vmem>>
    %dma_start3A_67 = tpu.memref_squeeze %dma_start3A_66 : memref<1x64x128xf32, #tpu.memory_space<vmem>> -> memref<64x128xf32, #tpu.memory_space<vmem>>
    %dma_start3A_68 = arith.constant 0 : i32
    %dma_start3A_69 = tpu.memref_slice %arg5[%dma_start3A_62, %dma_start3A_68] : memref<100x64xi32, #tpu.memory_space<vmem>> -> memref<1x64xi32, #tpu.memory_space<vmem>>
    %dma_start3A_70 = tpu.memref_squeeze %dma_start3A_69 : memref<1x64xi32, #tpu.memory_space<vmem>> -> memref<64xi32, #tpu.memory_space<vmem>>
    %dma_start3A_71 = arith.constant 0 : i32
    %dma_start3A_72 = arith.constant 0 : i32
    %dma_start3A_73 = tpu.memref_slice %arg3[%dma_start3A_71, %dma_start3A_72] : memref<100000x128xf32, #tpu.memory_space<hbm>> -> memref<100000x128xf32, #tpu.memory_space<hbm>>
    tpu.enqueue_indirect_dma source(%dma_start3A_73 : memref<100000x128xf32, #tpu.memory_space<hbm>>) target(%dma_start3A_67 : memref<64x128xf32, #tpu.memory_space<vmem>>) offsets(%dma_start3A_70 : memref<64xi32, #tpu.memory_space<vmem>>) semaphore(%arg12 : memref<!tpu.dma_semaphore, #tpu.memory_space<semaphore_mem>>)
    %dma_start3A_74 = arith.constant 6 : i32
    %dma_start3A_75 = arith.constant 1 : i32
    %dma_start3A_76 = arith.constant 64 : i32
    %dma_start3A_77 = arith.constant 0 : i32
    %dma_start3A_78 = tpu.memref_slice %arg6[%dma_start3A_75, %dma_start3A_76, %dma_start3A_77] : memref<2x320x128xf32, #tpu.memory_space<vmem>> -> memref<1x64x128xf32, #tpu.memory_space<vmem>>
    %dma_start3A_79 = tpu.memref_squeeze %dma_start3A_78 : memref<1x64x128xf32, #tpu.memory_space<vmem>> -> memref<64x128xf32, #tpu.memory_space<vmem>>
    %dma_start3A_80 = arith.constant 0 : i32
    %dma_start3A_81 = tpu.memref_slice %arg5[%dma_start3A_74, %dma_start3A_80] : memref<100x64xi32, #tpu.memory_space<vmem>> -> memref<1x64xi32, #tpu.memory_space<vmem>>
    %dma_start3A_82 = tpu.memref_squeeze %dma_start3A_81 : memref<1x64xi32, #tpu.memory_space<vmem>> -> memref<64xi32, #tpu.memory_space<vmem>>
    %dma_start3A_83 = arith.constant 0 : i32
    %dma_start3A_84 = arith.constant 0 : i32
    %dma_start3A_85 = tpu.memref_slice %arg3[%dma_start3A_83, %dma_start3A_84] : memref<100000x128xf32, #tpu.memory_space<hbm>> -> memref<100000x128xf32, #tpu.memory_space<hbm>>
    tpu.enqueue_indirect_dma source(%dma_start3A_85 : memref<100000x128xf32, #tpu.memory_space<hbm>>) target(%dma_start3A_79 : memref<64x128xf32, #tpu.memory_space<vmem>>) offsets(%dma_start3A_82 : memref<64xi32, #tpu.memory_space<vmem>>) semaphore(%arg13 : memref<!tpu.dma_semaphore, #tpu.memory_space<semaphore_mem>>)
    %dma_start3A_86 = arith.constant 7 : i32
    %dma_start3A_87 = arith.constant 1 : i32
    %dma_start3A_88 = arith.constant 128 : i32
    %dma_start3A_89 = arith.constant 0 : i32
    %dma_start3A_90 = tpu.memref_slice %arg6[%dma_start3A_87, %dma_start3A_88, %dma_start3A_89] : memref<2x320x128xf32, #tpu.memory_space<vmem>> -> memref<1x64x128xf32, #tpu.memory_space<vmem>>
    %dma_start3A_91 = tpu.memref_squeeze %dma_start3A_90 : memref<1x64x128xf32, #tpu.memory_space<vmem>> -> memref<64x128xf32, #tpu.memory_space<vmem>>
    %dma_start3A_92 = arith.constant 0 : i32
    %dma_start3A_93 = tpu.memref_slice %arg5[%dma_start3A_86, %dma_start3A_92] : memref<100x64xi32, #tpu.memory_space<vmem>> -> memref<1x64xi32, #tpu.memory_space<vmem>>
    %dma_start3A_94 = tpu.memref_squeeze %dma_start3A_93 : memref<1x64xi32, #tpu.memory_space<vmem>> -> memref<64xi32, #tpu.memory_space<vmem>>
    %dma_start3A_95 = arith.constant 0 : i32
    %dma_start3A_96 = arith.constant 0 : i32
    %dma_start3A_97 = tpu.memref_slice %arg3[%dma_start3A_95, %dma_start3A_96] : memref<100000x128xf32, #tpu.memory_space<hbm>> -> memref<100000x128xf32, #tpu.memory_space<hbm>>
    tpu.enqueue_indirect_dma source(%dma_start3A_97 : memref<100000x128xf32, #tpu.memory_space<hbm>>) target(%dma_start3A_91 : memref<64x128xf32, #tpu.memory_space<vmem>>) offsets(%dma_start3A_94 : memref<64xi32, #tpu.memory_space<vmem>>) semaphore(%arg14 : memref<!tpu.dma_semaphore, #tpu.memory_space<semaphore_mem>>)
    %dma_start3A_98 = arith.constant 8 : i32
    %dma_start3A_99 = arith.constant 1 : i32
    %dma_start3A_100 = arith.constant 192 : i32
    %dma_start3A_101 = arith.constant 0 : i32
    %dma_start3A_102 = tpu.memref_slice %arg6[%dma_start3A_99, %dma_start3A_100, %dma_start3A_101] : memref<2x320x128xf32, #tpu.memory_space<vmem>> -> memref<1x64x128xf32, #tpu.memory_space<vmem>>
    %dma_start3A_103 = tpu.memref_squeeze %dma_start3A_102 : memref<1x64x128xf32, #tpu.memory_space<vmem>> -> memref<64x128xf32, #tpu.memory_space<vmem>>
    %dma_start3A_104 = arith.constant 0 : i32
    %dma_start3A_105 = tpu.memref_slice %arg5[%dma_start3A_98, %dma_start3A_104] : memref<100x64xi32, #tpu.memory_space<vmem>> -> memref<1x64xi32, #tpu.memory_space<vmem>>
    %dma_start3A_106 = tpu.memref_squeeze %dma_start3A_105 : memref<1x64xi32, #tpu.memory_space<vmem>> -> memref<64xi32, #tpu.memory_space<vmem>>
    %dma_start3A_107 = arith.constant 0 : i32
    %dma_start3A_108 = arith.constant 0 : i32
    %dma_start3A_109 = tpu.memref_slice %arg3[%dma_start3A_107, %dma_start3A_108] : memref<100000x128xf32, #tpu.memory_space<hbm>> -> memref<100000x128xf32, #tpu.memory_space<hbm>>
    tpu.enqueue_indirect_dma source(%dma_start3A_109 : memref<100000x128xf32, #tpu.memory_space<hbm>>) target(%dma_start3A_103 : memref<64x128xf32, #tpu.memory_space<vmem>>) offsets(%dma_start3A_106 : memref<64xi32, #tpu.memory_space<vmem>>) semaphore(%arg15 : memref<!tpu.dma_semaphore, #tpu.memory_space<semaphore_mem>>)
    %dma_start3A_110 = arith.constant 9 : i32
    %dma_start3A_111 = arith.constant 1 : i32
    %dma_start3A_112 = arith.constant 256 : i32
    %dma_start3A_113 = arith.constant 0 : i32
    %dma_start3A_114 = tpu.memref_slice %arg6[%dma_start3A_111, %dma_start3A_112, %dma_start3A_113] : memref<2x320x128xf32, #tpu.memory_space<vmem>> -> memref<1x64x128xf32, #tpu.memory_space<vmem>>
    %dma_start3A_115 = tpu.memref_squeeze %dma_start3A_114 : memref<1x64x128xf32, #tpu.memory_space<vmem>> -> memref<64x128xf32, #tpu.memory_space<vmem>>
    %dma_start3A_116 = arith.constant 0 : i32
    %dma_start3A_117 = tpu.memref_slice %arg5[%dma_start3A_110, %dma_start3A_116] : memref<100x64xi32, #tpu.memory_space<vmem>> -> memref<1x64xi32, #tpu.memory_space<vmem>>
    %dma_start3A_118 = tpu.memref_squeeze %dma_start3A_117 : memref<1x64xi32, #tpu.memory_space<vmem>> -> memref<64xi32, #tpu.memory_space<vmem>>
    %dma_start3A_119 = arith.constant 0 : i32
    %dma_start3A_120 = arith.constant 0 : i32
    %dma_start3A_121 = tpu.memref_slice %arg3[%dma_start3A_119, %dma_start3A_120] : memref<100000x128xf32, #tpu.memory_space<hbm>> -> memref<100000x128xf32, #tpu.memory_space<hbm>>
    tpu.enqueue_indirect_dma source(%dma_start3A_121 : memref<100000x128xf32, #tpu.memory_space<hbm>>) target(%dma_start3A_115 : memref<64x128xf32, #tpu.memory_space<vmem>>) offsets(%dma_start3A_118 : memref<64xi32, #tpu.memory_space<vmem>>) semaphore(%arg16 : memref<!tpu.dma_semaphore, #tpu.memory_space<semaphore_mem>>)
    %scan3A = arith.constant 0 : i32
    %scan3A_122 = arith.constant 0 : i32
    %scan3A_123 = arith.constant 10 : i32
    %scan3A_124 = arith.addi %scan3A_122, %scan3A_123 : i32
    %scan3A_125 = arith.constant 1 : i32
    scf.for %scan3A_127 = %scan3A_122 to %scan3A_124 step %scan3A_125  : i32 {
      %mul3A_128 = arith.constant 10 : i32
      %mul3A_129 = arith.muli %scan3A_127, %mul3A_128 : i32
      %add3A_130 = arith.constant 0 : i32
      %add3A_131 = arith.addi %mul3A_129, %add3A_130 : i32
      %add3A_132 = arith.constant 0 : i32
      %add3A_133 = arith.addi %add3A_131, %add3A_132 : i32
      %dma_wait3A = arith.constant 0 : i32
      %dma_wait3A_134 = arith.constant 0 : i32
      %dma_wait3A_135 = arith.constant 0 : i32
      %dma_wait3A_136 = tpu.memref_slice %arg6[%dma_wait3A, %dma_wait3A_134, %dma_wait3A_135] : memref<2x320x128xf32, #tpu.memory_space<vmem>> -> memref<1x64x128xf32, #tpu.memory_space<vmem>>
      %dma_wait3A_137 = tpu.memref_squeeze %dma_wait3A_136 : memref<1x64x128xf32, #tpu.memory_space<vmem>> -> memref<64x128xf32, #tpu.memory_space<vmem>>
      %dma_wait3A_138 = arith.constant 0 : i32
      %dma_wait3A_139 = tpu.memref_slice %arg5[%add3A_133, %dma_wait3A_138] : memref<100x64xi32, #tpu.memory_space<vmem>> -> memref<1x64xi32, #tpu.memory_space<vmem>>
      %dma_wait3A_140 = tpu.memref_squeeze %dma_wait3A_139 : memref<1x64xi32, #tpu.memory_space<vmem>> -> memref<64xi32, #tpu.memory_space<vmem>>
      %dma_wait3A_141 = arith.constant 0 : i32
      %dma_wait3A_142 = arith.constant 0 : i32
      %dma_wait3A_143 = tpu.memref_slice %arg3[%dma_wait3A_141, %dma_wait3A_142] : memref<100000x128xf32, #tpu.memory_space<hbm>> -> memref<100000x128xf32, #tpu.memory_space<hbm>>
      tpu.wait_indirect_dma semaphore(%arg7 : memref<!tpu.dma_semaphore, #tpu.memory_space<semaphore_mem>>) src(%dma_wait3A_143 : memref<100000x128xf32, #tpu.memory_space<hbm>>) dst(%dma_wait3A_137 : memref<64x128xf32, #tpu.memory_space<vmem>>)
      %add3A_144 = arith.constant 0 : i32
      %add3A_145 = arith.addi %mul3A_129, %add3A_144 : i32
      %add3A_146 = arith.constant 1 : i32
      %add3A_147 = arith.addi %add3A_145, %add3A_146 : i32
      %dma_wait3A_148 = arith.constant 0 : i32
      %dma_wait3A_149 = arith.constant 64 : i32
      %dma_wait3A_150 = arith.constant 0 : i32
      %dma_wait3A_151 = tpu.memref_slice %arg6[%dma_wait3A_148, %dma_wait3A_149, %dma_wait3A_150] : memref<2x320x128xf32, #tpu.memory_space<vmem>> -> memref<1x64x128xf32, #tpu.memory_space<vmem>>
      %dma_wait3A_152 = tpu.memref_squeeze %dma_wait3A_151 : memref<1x64x128xf32, #tpu.memory_space<vmem>> -> memref<64x128xf32, #tpu.memory_space<vmem>>
      %dma_wait3A_153 = arith.constant 0 : i32
      %dma_wait3A_154 = tpu.memref_slice %arg5[%add3A_147, %dma_wait3A_153] : memref<100x64xi32, #tpu.memory_space<vmem>> -> memref<1x64xi32, #tpu.memory_space<vmem>>
      %dma_wait3A_155 = tpu.memref_squeeze %dma_wait3A_154 : memref<1x64xi32, #tpu.memory_space<vmem>> -> memref<64xi32, #tpu.memory_space<vmem>>
      %dma_wait3A_156 = arith.constant 0 : i32
      %dma_wait3A_157 = arith.constant 0 : i32
      %dma_wait3A_158 = tpu.memref_slice %arg3[%dma_wait3A_156, %dma_wait3A_157] : memref<100000x128xf32, #tpu.memory_space<hbm>> -> memref<100000x128xf32, #tpu.memory_space<hbm>>
      tpu.wait_indirect_dma semaphore(%arg8 : memref<!tpu.dma_semaphore, #tpu.memory_space<semaphore_mem>>) src(%dma_wait3A_158 : memref<100000x128xf32, #tpu.memory_space<hbm>>) dst(%dma_wait3A_152 : memref<64x128xf32, #tpu.memory_space<vmem>>)
      %add3A_159 = arith.constant 0 : i32
      %add3A_160 = arith.addi %mul3A_129, %add3A_159 : i32
      %add3A_161 = arith.constant 2 : i32
      %add3A_162 = arith.addi %add3A_160, %add3A_161 : i32
      %dma_wait3A_163 = arith.constant 0 : i32
      %dma_wait3A_164 = arith.constant 128 : i32
      %dma_wait3A_165 = arith.constant 0 : i32
      %dma_wait3A_166 = tpu.memref_slice %arg6[%dma_wait3A_163, %dma_wait3A_164, %dma_wait3A_165] : memref<2x320x128xf32, #tpu.memory_space<vmem>> -> memref<1x64x128xf32, #tpu.memory_space<vmem>>
      %dma_wait3A_167 = tpu.memref_squeeze %dma_wait3A_166 : memref<1x64x128xf32, #tpu.memory_space<vmem>> -> memref<64x128xf32, #tpu.memory_space<vmem>>
      %dma_wait3A_168 = arith.constant 0 : i32
      %dma_wait3A_169 = tpu.memref_slice %arg5[%add3A_162, %dma_wait3A_168] : memref<100x64xi32, #tpu.memory_space<vmem>> -> memref<1x64xi32, #tpu.memory_space<vmem>>
      %dma_wait3A_170 = tpu.memref_squeeze %dma_wait3A_169 : memref<1x64xi32, #tpu.memory_space<vmem>> -> memref<64xi32, #tpu.memory_space<vmem>>
      %dma_wait3A_171 = arith.constant 0 : i32
      %dma_wait3A_172 = arith.constant 0 : i32
      %dma_wait3A_173 = tpu.memref_slice %arg3[%dma_wait3A_171, %dma_wait3A_172] : memref<100000x128xf32, #tpu.memory_space<hbm>> -> memref<100000x128xf32, #tpu.memory_space<hbm>>
      tpu.wait_indirect_dma semaphore(%arg9 : memref<!tpu.dma_semaphore, #tpu.memory_space<semaphore_mem>>) src(%dma_wait3A_173 : memref<100000x128xf32, #tpu.memory_space<hbm>>) dst(%dma_wait3A_167 : memref<64x128xf32, #tpu.memory_space<vmem>>)
      %add3A_174 = arith.constant 0 : i32
      %add3A_175 = arith.addi %mul3A_129, %add3A_174 : i32
      %add3A_176 = arith.constant 3 : i32
      %add3A_177 = arith.addi %add3A_175, %add3A_176 : i32
      %dma_wait3A_178 = arith.constant 0 : i32
      %dma_wait3A_179 = arith.constant 192 : i32
      %dma_wait3A_180 = arith.constant 0 : i32
      %dma_wait3A_181 = tpu.memref_slice %arg6[%dma_wait3A_178, %dma_wait3A_179, %dma_wait3A_180] : memref<2x320x128xf32, #tpu.memory_space<vmem>> -> memref<1x64x128xf32, #tpu.memory_space<vmem>>
      %dma_wait3A_182 = tpu.memref_squeeze %dma_wait3A_181 : memref<1x64x128xf32, #tpu.memory_space<vmem>> -> memref<64x128xf32, #tpu.memory_space<vmem>>
      %dma_wait3A_183 = arith.constant 0 : i32
      %dma_wait3A_184 = tpu.memref_slice %arg5[%add3A_177, %dma_wait3A_183] : memref<100x64xi32, #tpu.memory_space<vmem>> -> memref<1x64xi32, #tpu.memory_space<vmem>>
      %dma_wait3A_185 = tpu.memref_squeeze %dma_wait3A_184 : memref<1x64xi32, #tpu.memory_space<vmem>> -> memref<64xi32, #tpu.memory_space<vmem>>
      %dma_wait3A_186 = arith.constant 0 : i32
      %dma_wait3A_187 = arith.constant 0 : i32
      %dma_wait3A_188 = tpu.memref_slice %arg3[%dma_wait3A_186, %dma_wait3A_187] : memref<100000x128xf32, #tpu.memory_space<hbm>> -> memref<100000x128xf32, #tpu.memory_space<hbm>>
      tpu.wait_indirect_dma semaphore(%arg10 : memref<!tpu.dma_semaphore, #tpu.memory_space<semaphore_mem>>) src(%dma_wait3A_188 : memref<100000x128xf32, #tpu.memory_space<hbm>>) dst(%dma_wait3A_182 : memref<64x128xf32, #tpu.memory_space<vmem>>)
      %add3A_189 = arith.constant 0 : i32
      %add3A_190 = arith.addi %mul3A_129, %add3A_189 : i32
      %add3A_191 = arith.constant 4 : i32
      %add3A_192 = arith.addi %add3A_190, %add3A_191 : i32
      %dma_wait3A_193 = arith.constant 0 : i32
      %dma_wait3A_194 = arith.constant 256 : i32
      %dma_wait3A_195 = arith.constant 0 : i32
      %dma_wait3A_196 = tpu.memref_slice %arg6[%dma_wait3A_193, %dma_wait3A_194, %dma_wait3A_195] : memref<2x320x128xf32, #tpu.memory_space<vmem>> -> memref<1x64x128xf32, #tpu.memory_space<vmem>>
      %dma_wait3A_197 = tpu.memref_squeeze %dma_wait3A_196 : memref<1x64x128xf32, #tpu.memory_space<vmem>> -> memref<64x128xf32, #tpu.memory_space<vmem>>
      %dma_wait3A_198 = arith.constant 0 : i32
      %dma_wait3A_199 = tpu.memref_slice %arg5[%add3A_192, %dma_wait3A_198] : memref<100x64xi32, #tpu.memory_space<vmem>> -> memref<1x64xi32, #tpu.memory_space<vmem>>
      %dma_wait3A_200 = tpu.memref_squeeze %dma_wait3A_199 : memref<1x64xi32, #tpu.memory_space<vmem>> -> memref<64xi32, #tpu.memory_space<vmem>>
      %dma_wait3A_201 = arith.constant 0 : i32
      %dma_wait3A_202 = arith.constant 0 : i32
      %dma_wait3A_203 = tpu.memref_slice %arg3[%dma_wait3A_201, %dma_wait3A_202] : memref<100000x128xf32, #tpu.memory_space<hbm>> -> memref<100000x128xf32, #tpu.memory_space<hbm>>
      tpu.wait_indirect_dma semaphore(%arg11 : memref<!tpu.dma_semaphore, #tpu.memory_space<semaphore_mem>>) src(%dma_wait3A_203 : memref<100000x128xf32, #tpu.memory_space<hbm>>) dst(%dma_wait3A_197 : memref<64x128xf32, #tpu.memory_space<vmem>>)
      %add3A_204 = arith.constant 0 : i32
      %add3A_205 = arith.addi %mul3A_129, %add3A_204 : i32
      %mul3A_206 = arith.constant 64 : i32
      %mul3A_207 = arith.muli %add3A_205, %mul3A_206 : i32
      %add3A_208 = arith.addi %mul3A_2, %mul3A_207 : i32
      %dma_start3A_209 = arith.constant 0 : i32
      %dma_start3A_210 = arith.constant 0 : i32
      %dma_start3A_211 = arith.constant 0 : i32
      %dma_start3A_212 = tpu.memref_slice %arg6[%dma_start3A_209, %dma_start3A_210, %dma_start3A_211] : memref<2x320x128xf32, #tpu.memory_space<vmem>> -> memref<1x320x128xf32, #tpu.memory_space<vmem>>
      %dma_start3A_213 = tpu.memref_squeeze %dma_start3A_212 : memref<1x320x128xf32, #tpu.memory_space<vmem>> -> memref<320x128xf32, #tpu.memory_space<vmem>>
      %dma_start3A_214 = arith.constant 0 : i32
      %dma_start3A_215 = tpu.memref_slice %arg4[%add3A_208, %dma_start3A_214] : memref<204800x128xf32, #tpu.memory_space<hbm>> -> memref<320x128xf32, #tpu.memory_space<hbm>>
      %dma_start3A_216 = arith.constant 0 : i32
      %dma_start3A_217 = tpu.memref_slice %arg4[%add3A_208, %dma_start3A_216] : memref<204800x128xf32, #tpu.memory_space<hbm>> -> memref<320x128xf32, #tpu.memory_space<hbm>>
      %dma_start3A_218 = arith.constant 0 : i32
      %dma_start3A_219 = arith.constant 0 : i32
      %dma_start3A_220 = tpu.memref_slice %arg6[%dma_start3A_209, %dma_start3A_218, %dma_start3A_219] : memref<2x320x128xf32, #tpu.memory_space<vmem>> -> memref<1x320x128xf32, #tpu.memory_space<vmem>>
      %dma_start3A_221 = tpu.memref_squeeze %dma_start3A_220 : memref<1x320x128xf32, #tpu.memory_space<vmem>> -> memref<320x128xf32, #tpu.memory_space<vmem>>
      tpu.enqueue_dma source(%dma_start3A_221 : memref<320x128xf32, #tpu.memory_space<vmem>>) target(%dma_start3A_217 : memref<320x128xf32, #tpu.memory_space<hbm>>) target_semaphore(%arg17 : memref<!tpu.dma_semaphore, #tpu.memory_space<semaphore_mem>>)
      %add3A_222 = arith.constant 5 : i32
      %add3A_223 = arith.addi %mul3A_129, %add3A_222 : i32
      %add3A_224 = arith.constant 0 : i32
      %add3A_225 = arith.addi %add3A_223, %add3A_224 : i32
      %dma_wait3A_226 = arith.constant 1 : i32
      %dma_wait3A_227 = arith.constant 0 : i32
      %dma_wait3A_228 = arith.constant 0 : i32
      %dma_wait3A_229 = tpu.memref_slice %arg6[%dma_wait3A_226, %dma_wait3A_227, %dma_wait3A_228] : memref<2x320x128xf32, #tpu.memory_space<vmem>> -> memref<1x64x128xf32, #tpu.memory_space<vmem>>
      %dma_wait3A_230 = tpu.memref_squeeze %dma_wait3A_229 : memref<1x64x128xf32, #tpu.memory_space<vmem>> -> memref<64x128xf32, #tpu.memory_space<vmem>>
      %dma_wait3A_231 = arith.constant 0 : i32
      %dma_wait3A_232 = tpu.memref_slice %arg5[%add3A_225, %dma_wait3A_231] : memref<100x64xi32, #tpu.memory_space<vmem>> -> memref<1x64xi32, #tpu.memory_space<vmem>>
      %dma_wait3A_233 = tpu.memref_squeeze %dma_wait3A_232 : memref<1x64xi32, #tpu.memory_space<vmem>> -> memref<64xi32, #tpu.memory_space<vmem>>
      %dma_wait3A_234 = arith.constant 0 : i32
      %dma_wait3A_235 = arith.constant 0 : i32
      %dma_wait3A_236 = tpu.memref_slice %arg3[%dma_wait3A_234, %dma_wait3A_235] : memref<100000x128xf32, #tpu.memory_space<hbm>> -> memref<100000x128xf32, #tpu.memory_space<hbm>>
      tpu.wait_indirect_dma semaphore(%arg12 : memref<!tpu.dma_semaphore, #tpu.memory_space<semaphore_mem>>) src(%dma_wait3A_236 : memref<100000x128xf32, #tpu.memory_space<hbm>>) dst(%dma_wait3A_230 : memref<64x128xf32, #tpu.memory_space<vmem>>)
      %add3A_237 = arith.constant 5 : i32
      %add3A_238 = arith.addi %mul3A_129, %add3A_237 : i32
      %add3A_239 = arith.constant 1 : i32
      %add3A_240 = arith.addi %add3A_238, %add3A_239 : i32
      %dma_wait3A_241 = arith.constant 1 : i32
      %dma_wait3A_242 = arith.constant 64 : i32
      %dma_wait3A_243 = arith.constant 0 : i32
      %dma_wait3A_244 = tpu.memref_slice %arg6[%dma_wait3A_241, %dma_wait3A_242, %dma_wait3A_243] : memref<2x320x128xf32, #tpu.memory_space<vmem>> -> memref<1x64x128xf32, #tpu.memory_space<vmem>>
      %dma_wait3A_245 = tpu.memref_squeeze %dma_wait3A_244 : memref<1x64x128xf32, #tpu.memory_space<vmem>> -> memref<64x128xf32, #tpu.memory_space<vmem>>
      %dma_wait3A_246 = arith.constant 0 : i32
      %dma_wait3A_247 = tpu.memref_slice %arg5[%add3A_240, %dma_wait3A_246] : memref<100x64xi32, #tpu.memory_space<vmem>> -> memref<1x64xi32, #tpu.memory_space<vmem>>
      %dma_wait3A_248 = tpu.memref_squeeze %dma_wait3A_247 : memref<1x64xi32, #tpu.memory_space<vmem>> -> memref<64xi32, #tpu.memory_space<vmem>>
      %dma_wait3A_249 = arith.constant 0 : i32
      %dma_wait3A_250 = arith.constant 0 : i32
      %dma_wait3A_251 = tpu.memref_slice %arg3[%dma_wait3A_249, %dma_wait3A_250] : memref<100000x128xf32, #tpu.memory_space<hbm>> -> memref<100000x128xf32, #tpu.memory_space<hbm>>
      tpu.wait_indirect_dma semaphore(%arg13 : memref<!tpu.dma_semaphore, #tpu.memory_space<semaphore_mem>>) src(%dma_wait3A_251 : memref<100000x128xf32, #tpu.memory_space<hbm>>) dst(%dma_wait3A_245 : memref<64x128xf32, #tpu.memory_space<vmem>>)
      %add3A_252 = arith.constant 5 : i32
      %add3A_253 = arith.addi %mul3A_129, %add3A_252 : i32
      %add3A_254 = arith.constant 2 : i32
      %add3A_255 = arith.addi %add3A_253, %add3A_254 : i32
      %dma_wait3A_256 = arith.constant 1 : i32
      %dma_wait3A_257 = arith.constant 128 : i32
      %dma_wait3A_258 = arith.constant 0 : i32
      %dma_wait3A_259 = tpu.memref_slice %arg6[%dma_wait3A_256, %dma_wait3A_257, %dma_wait3A_258] : memref<2x320x128xf32, #tpu.memory_space<vmem>> -> memref<1x64x128xf32, #tpu.memory_space<vmem>>
      %dma_wait3A_260 = tpu.memref_squeeze %dma_wait3A_259 : memref<1x64x128xf32, #tpu.memory_space<vmem>> -> memref<64x128xf32, #tpu.memory_space<vmem>>
      %dma_wait3A_261 = arith.constant 0 : i32
      %dma_wait3A_262 = tpu.memref_slice %arg5[%add3A_255, %dma_wait3A_261] : memref<100x64xi32, #tpu.memory_space<vmem>> -> memref<1x64xi32, #tpu.memory_space<vmem>>
      %dma_wait3A_263 = tpu.memref_squeeze %dma_wait3A_262 : memref<1x64xi32, #tpu.memory_space<vmem>> -> memref<64xi32, #tpu.memory_space<vmem>>
      %dma_wait3A_264 = arith.constant 0 : i32
      %dma_wait3A_265 = arith.constant 0 : i32
      %dma_wait3A_266 = tpu.memref_slice %arg3[%dma_wait3A_264, %dma_wait3A_265] : memref<100000x128xf32, #tpu.memory_space<hbm>> -> memref<100000x128xf32, #tpu.memory_space<hbm>>
      tpu.wait_indirect_dma semaphore(%arg14 : memref<!tpu.dma_semaphore, #tpu.memory_space<semaphore_mem>>) src(%dma_wait3A_266 : memref<100000x128xf32, #tpu.memory_space<hbm>>) dst(%dma_wait3A_260 : memref<64x128xf32, #tpu.memory_space<vmem>>)
      %add3A_267 = arith.constant 5 : i32
      %add3A_268 = arith.addi %mul3A_129, %add3A_267 : i32
      %add3A_269 = arith.constant 3 : i32
      %add3A_270 = arith.addi %add3A_268, %add3A_269 : i32
      %dma_wait3A_271 = arith.constant 1 : i32
      %dma_wait3A_272 = arith.constant 192 : i32
      %dma_wait3A_273 = arith.constant 0 : i32
      %dma_wait3A_274 = tpu.memref_slice %arg6[%dma_wait3A_271, %dma_wait3A_272, %dma_wait3A_273] : memref<2x320x128xf32, #tpu.memory_space<vmem>> -> memref<1x64x128xf32, #tpu.memory_space<vmem>>
      %dma_wait3A_275 = tpu.memref_squeeze %dma_wait3A_274 : memref<1x64x128xf32, #tpu.memory_space<vmem>> -> memref<64x128xf32, #tpu.memory_space<vmem>>
      %dma_wait3A_276 = arith.constant 0 : i32
      %dma_wait3A_277 = tpu.memref_slice %arg5[%add3A_270, %dma_wait3A_276] : memref<100x64xi32, #tpu.memory_space<vmem>> -> memref<1x64xi32, #tpu.memory_space<vmem>>
      %dma_wait3A_278 = tpu.memref_squeeze %dma_wait3A_277 : memref<1x64xi32, #tpu.memory_space<vmem>> -> memref<64xi32, #tpu.memory_space<vmem>>
      %dma_wait3A_279 = arith.constant 0 : i32
      %dma_wait3A_280 = arith.constant 0 : i32
      %dma_wait3A_281 = tpu.memref_slice %arg3[%dma_wait3A_279, %dma_wait3A_280] : memref<100000x128xf32, #tpu.memory_space<hbm>> -> memref<100000x128xf32, #tpu.memory_space<hbm>>
      tpu.wait_indirect_dma semaphore(%arg15 : memref<!tpu.dma_semaphore, #tpu.memory_space<semaphore_mem>>) src(%dma_wait3A_281 : memref<100000x128xf32, #tpu.memory_space<hbm>>) dst(%dma_wait3A_275 : memref<64x128xf32, #tpu.memory_space<vmem>>)
      %add3A_282 = arith.constant 5 : i32
      %add3A_283 = arith.addi %mul3A_129, %add3A_282 : i32
      %add3A_284 = arith.constant 4 : i32
      %add3A_285 = arith.addi %add3A_283, %add3A_284 : i32
      %dma_wait3A_286 = arith.constant 1 : i32
      %dma_wait3A_287 = arith.constant 256 : i32
      %dma_wait3A_288 = arith.constant 0 : i32
      %dma_wait3A_289 = tpu.memref_slice %arg6[%dma_wait3A_286, %dma_wait3A_287, %dma_wait3A_288] : memref<2x320x128xf32, #tpu.memory_space<vmem>> -> memref<1x64x128xf32, #tpu.memory_space<vmem>>
      %dma_wait3A_290 = tpu.memref_squeeze %dma_wait3A_289 : memref<1x64x128xf32, #tpu.memory_space<vmem>> -> memref<64x128xf32, #tpu.memory_space<vmem>>
      %dma_wait3A_291 = arith.constant 0 : i32
      %dma_wait3A_292 = tpu.memref_slice %arg5[%add3A_285, %dma_wait3A_291] : memref<100x64xi32, #tpu.memory_space<vmem>> -> memref<1x64xi32, #tpu.memory_space<vmem>>
      %dma_wait3A_293 = tpu.memref_squeeze %dma_wait3A_292 : memref<1x64xi32, #tpu.memory_space<vmem>> -> memref<64xi32, #tpu.memory_space<vmem>>
      %dma_wait3A_294 = arith.constant 0 : i32
      %dma_wait3A_295 = arith.constant 0 : i32
      %dma_wait3A_296 = tpu.memref_slice %arg3[%dma_wait3A_294, %dma_wait3A_295] : memref<100000x128xf32, #tpu.memory_space<hbm>> -> memref<100000x128xf32, #tpu.memory_space<hbm>>
      tpu.wait_indirect_dma semaphore(%arg16 : memref<!tpu.dma_semaphore, #tpu.memory_space<semaphore_mem>>) src(%dma_wait3A_296 : memref<100000x128xf32, #tpu.memory_space<hbm>>) dst(%dma_wait3A_290 : memref<64x128xf32, #tpu.memory_space<vmem>>)
      %add3A_297 = arith.constant 5 : i32
      %add3A_298 = arith.addi %mul3A_129, %add3A_297 : i32
      %mul3A_299 = arith.constant 64 : i32
      %mul3A_300 = arith.muli %add3A_298, %mul3A_299 : i32
      %add3A_301 = arith.addi %mul3A_2, %mul3A_300 : i32
      %dma_start3A_302 = arith.constant 1 : i32
      %dma_start3A_303 = arith.constant 0 : i32
      %dma_start3A_304 = arith.constant 0 : i32
      %dma_start3A_305 = tpu.memref_slice %arg6[%dma_start3A_302, %dma_start3A_303, %dma_start3A_304] : memref<2x320x128xf32, #tpu.memory_space<vmem>> -> memref<1x320x128xf32, #tpu.memory_space<vmem>>
      %dma_start3A_306 = tpu.memref_squeeze %dma_start3A_305 : memref<1x320x128xf32, #tpu.memory_space<vmem>> -> memref<320x128xf32, #tpu.memory_space<vmem>>
      %dma_start3A_307 = arith.constant 0 : i32
      %dma_start3A_308 = tpu.memref_slice %arg4[%add3A_301, %dma_start3A_307] : memref<204800x128xf32, #tpu.memory_space<hbm>> -> memref<320x128xf32, #tpu.memory_space<hbm>>
      %dma_start3A_309 = arith.constant 0 : i32
      %dma_start3A_310 = tpu.memref_slice %arg4[%add3A_301, %dma_start3A_309] : memref<204800x128xf32, #tpu.memory_space<hbm>> -> memref<320x128xf32, #tpu.memory_space<hbm>>
      %dma_start3A_311 = arith.constant 0 : i32
      %dma_start3A_312 = arith.constant 0 : i32
      %dma_start3A_313 = tpu.memref_slice %arg6[%dma_start3A_302, %dma_start3A_311, %dma_start3A_312] : memref<2x320x128xf32, #tpu.memory_space<vmem>> -> memref<1x320x128xf32, #tpu.memory_space<vmem>>
      %dma_start3A_314 = tpu.memref_squeeze %dma_start3A_313 : memref<1x320x128xf32, #tpu.memory_space<vmem>> -> memref<320x128xf32, #tpu.memory_space<vmem>>
      tpu.enqueue_dma source(%dma_start3A_314 : memref<320x128xf32, #tpu.memory_space<vmem>>) target(%dma_start3A_310 : memref<320x128xf32, #tpu.memory_space<hbm>>) target_semaphore(%arg18 : memref<!tpu.dma_semaphore, #tpu.memory_space<semaphore_mem>>)
      %add3A_315 = arith.constant 0 : i32
      %add3A_316 = arith.addi %mul3A_129, %add3A_315 : i32
      %mul3A_317 = arith.constant 64 : i32
      %mul3A_318 = arith.muli %add3A_316, %mul3A_317 : i32
      %add3A_319 = arith.addi %mul3A_2, %mul3A_318 : i32
      %dma_wait3A_320 = arith.constant 0 : i32
      %dma_wait3A_321 = arith.constant 0 : i32
      %dma_wait3A_322 = arith.constant 0 : i32
      %dma_wait3A_323 = tpu.memref_slice %arg6[%dma_wait3A_320, %dma_wait3A_321, %dma_wait3A_322] : memref<2x320x128xf32, #tpu.memory_space<vmem>> -> memref<1x320x128xf32, #tpu.memory_space<vmem>>
      %dma_wait3A_324 = tpu.memref_squeeze %dma_wait3A_323 : memref<1x320x128xf32, #tpu.memory_space<vmem>> -> memref<320x128xf32, #tpu.memory_space<vmem>>
      %dma_wait3A_325 = arith.constant 0 : i32
      %dma_wait3A_326 = tpu.memref_slice %arg4[%add3A_319, %dma_wait3A_325] : memref<204800x128xf32, #tpu.memory_space<hbm>> -> memref<320x128xf32, #tpu.memory_space<hbm>>
      %dma_wait3A_327 = arith.constant 0 : i32
      %dma_wait3A_328 = tpu.memref_slice %arg4[%add3A_319, %dma_wait3A_327] : memref<204800x128xf32, #tpu.memory_space<hbm>> -> memref<320x128xf32, #tpu.memory_space<hbm>>
      %dma_wait3A_329 = arith.constant 0 : i32
      %dma_wait3A_330 = arith.constant 0 : i32
      %dma_wait3A_331 = tpu.memref_slice %arg6[%dma_wait3A_320, %dma_wait3A_329, %dma_wait3A_330] : memref<2x320x128xf32, #tpu.memory_space<vmem>> -> memref<1x320x128xf32, #tpu.memory_space<vmem>>
      %dma_wait3A_332 = tpu.memref_squeeze %dma_wait3A_331 : memref<1x320x128xf32, #tpu.memory_space<vmem>> -> memref<320x128xf32, #tpu.memory_space<vmem>>
      tpu.wait_dma2 semaphore(%arg17 : memref<!tpu.dma_semaphore, #tpu.memory_space<semaphore_mem>>) src(%dma_wait3A_332 : memref<320x128xf32, #tpu.memory_space<vmem>>) dst(%dma_wait3A_328 : memref<320x128xf32, #tpu.memory_space<hbm>>)
      %add3A_333 = arith.constant 0 : i32
      %add3A_334 = arith.addi %mul3A_129, %add3A_333 : i32
      %add3A_335 = arith.constant 0 : i32
      %add3A_336 = arith.addi %add3A_334, %add3A_335 : i32
      %add3A_337 = arith.constant 10 : i32
      %add3A_338 = arith.addi %add3A_336, %add3A_337 : i32
      %lt3A = arith.constant 100 : i32
      %lt3A_339 = arith.cmpi slt, %add3A_338, %lt3A : i32
      %convert_element_type3A = arith.extui %lt3A_339 : i1 to i32
      %cond3A = arith.constant 0 : i32
      %cond3A_340 = arith.cmpi ne, %convert_element_type3A, %cond3A : i32
      scf.if %cond3A_340 {
        %add3A_458 = arith.constant 0 : i32
        %add3A_459 = arith.addi %mul3A_129, %add3A_458 : i32
        %add3A_460 = arith.constant 0 : i32
        %add3A_461 = arith.addi %add3A_459, %add3A_460 : i32
        %add3A_462 = arith.constant 10 : i32
        %add3A_463 = arith.addi %add3A_461, %add3A_462 : i32
        %dma_start3A_464 = arith.constant 0 : i32
        %dma_start3A_465 = arith.constant 0 : i32
        %dma_start3A_466 = arith.constant 0 : i32
        %dma_start3A_467 = tpu.memref_slice %arg6[%dma_start3A_464, %dma_start3A_465, %dma_start3A_466] : memref<2x320x128xf32, #tpu.memory_space<vmem>> -> memref<1x64x128xf32, #tpu.memory_space<vmem>>
        %dma_start3A_468 = tpu.memref_squeeze %dma_start3A_467 : memref<1x64x128xf32, #tpu.memory_space<vmem>> -> memref<64x128xf32, #tpu.memory_space<vmem>>
        %dma_start3A_469 = arith.constant 0 : i32
        %dma_start3A_470 = tpu.memref_slice %arg5[%add3A_463, %dma_start3A_469] : memref<100x64xi32, #tpu.memory_space<vmem>> -> memref<1x64xi32, #tpu.memory_space<vmem>>
        %dma_start3A_471 = tpu.memref_squeeze %dma_start3A_470 : memref<1x64xi32, #tpu.memory_space<vmem>> -> memref<64xi32, #tpu.memory_space<vmem>>
        %dma_start3A_472 = arith.constant 0 : i32
        %dma_start3A_473 = arith.constant 0 : i32
        %dma_start3A_474 = tpu.memref_slice %arg3[%dma_start3A_472, %dma_start3A_473] : memref<100000x128xf32, #tpu.memory_space<hbm>> -> memref<100000x128xf32, #tpu.memory_space<hbm>>
        tpu.enqueue_indirect_dma source(%dma_start3A_474 : memref<100000x128xf32, #tpu.memory_space<hbm>>) target(%dma_start3A_468 : memref<64x128xf32, #tpu.memory_space<vmem>>) offsets(%dma_start3A_471 : memref<64xi32, #tpu.memory_space<vmem>>) semaphore(%arg7 : memref<!tpu.dma_semaphore, #tpu.memory_space<semaphore_mem>>)
      } else {
      }
      %add3A_341 = arith.constant 0 : i32
      %add3A_342 = arith.addi %mul3A_129, %add3A_341 : i32
      %add3A_343 = arith.constant 1 : i32
      %add3A_344 = arith.addi %add3A_342, %add3A_343 : i32
      %add3A_345 = arith.constant 10 : i32
      %add3A_346 = arith.addi %add3A_344, %add3A_345 : i32
      %lt3A_347 = arith.constant 100 : i32
      %lt3A_348 = arith.cmpi slt, %add3A_346, %lt3A_347 : i32
      %convert_element_type3A_349 = arith.extui %lt3A_348 : i1 to i32
      %cond3A_350 = arith.constant 0 : i32
      %cond3A_351 = arith.cmpi ne, %convert_element_type3A_349, %cond3A_350 : i32
      scf.if %cond3A_351 {
        %add3A_458 = arith.constant 0 : i32
        %add3A_459 = arith.addi %mul3A_129, %add3A_458 : i32
        %add3A_460 = arith.constant 1 : i32
        %add3A_461 = arith.addi %add3A_459, %add3A_460 : i32
        %add3A_462 = arith.constant 10 : i32
        %add3A_463 = arith.addi %add3A_461, %add3A_462 : i32
        %dma_start3A_464 = arith.constant 0 : i32
        %dma_start3A_465 = arith.constant 64 : i32
        %dma_start3A_466 = arith.constant 0 : i32
        %dma_start3A_467 = tpu.memref_slice %arg6[%dma_start3A_464, %dma_start3A_465, %dma_start3A_466] : memref<2x320x128xf32, #tpu.memory_space<vmem>> -> memref<1x64x128xf32, #tpu.memory_space<vmem>>
        %dma_start3A_468 = tpu.memref_squeeze %dma_start3A_467 : memref<1x64x128xf32, #tpu.memory_space<vmem>> -> memref<64x128xf32, #tpu.memory_space<vmem>>
        %dma_start3A_469 = arith.constant 0 : i32
        %dma_start3A_470 = tpu.memref_slice %arg5[%add3A_463, %dma_start3A_469] : memref<100x64xi32, #tpu.memory_space<vmem>> -> memref<1x64xi32, #tpu.memory_space<vmem>>
        %dma_start3A_471 = tpu.memref_squeeze %dma_start3A_470 : memref<1x64xi32, #tpu.memory_space<vmem>> -> memref<64xi32, #tpu.memory_space<vmem>>
        %dma_start3A_472 = arith.constant 0 : i32
        %dma_start3A_473 = arith.constant 0 : i32
        %dma_start3A_474 = tpu.memref_slice %arg3[%dma_start3A_472, %dma_start3A_473] : memref<100000x128xf32, #tpu.memory_space<hbm>> -> memref<100000x128xf32, #tpu.memory_space<hbm>>
        tpu.enqueue_indirect_dma source(%dma_start3A_474 : memref<100000x128xf32, #tpu.memory_space<hbm>>) target(%dma_start3A_468 : memref<64x128xf32, #tpu.memory_space<vmem>>) offsets(%dma_start3A_471 : memref<64xi32, #tpu.memory_space<vmem>>) semaphore(%arg8 : memref<!tpu.dma_semaphore, #tpu.memory_space<semaphore_mem>>)
      } else {
      }
      %add3A_352 = arith.constant 0 : i32
      %add3A_353 = arith.addi %mul3A_129, %add3A_352 : i32
      %add3A_354 = arith.constant 2 : i32
      %add3A_355 = arith.addi %add3A_353, %add3A_354 : i32
      %add3A_356 = arith.constant 10 : i32
      %add3A_357 = arith.addi %add3A_355, %add3A_356 : i32
      %lt3A_358 = arith.constant 100 : i32
      %lt3A_359 = arith.cmpi slt, %add3A_357, %lt3A_358 : i32
      %convert_element_type3A_360 = arith.extui %lt3A_359 : i1 to i32
      %cond3A_361 = arith.constant 0 : i32
      %cond3A_362 = arith.cmpi ne, %convert_element_type3A_360, %cond3A_361 : i32
      scf.if %cond3A_362 {
        %add3A_458 = arith.constant 0 : i32
        %add3A_459 = arith.addi %mul3A_129, %add3A_458 : i32
        %add3A_460 = arith.constant 2 : i32
        %add3A_461 = arith.addi %add3A_459, %add3A_460 : i32
        %add3A_462 = arith.constant 10 : i32
        %add3A_463 = arith.addi %add3A_461, %add3A_462 : i32
        %dma_start3A_464 = arith.constant 0 : i32
        %dma_start3A_465 = arith.constant 128 : i32
        %dma_start3A_466 = arith.constant 0 : i32
        %dma_start3A_467 = tpu.memref_slice %arg6[%dma_start3A_464, %dma_start3A_465, %dma_start3A_466] : memref<2x320x128xf32, #tpu.memory_space<vmem>> -> memref<1x64x128xf32, #tpu.memory_space<vmem>>
        %dma_start3A_468 = tpu.memref_squeeze %dma_start3A_467 : memref<1x64x128xf32, #tpu.memory_space<vmem>> -> memref<64x128xf32, #tpu.memory_space<vmem>>
        %dma_start3A_469 = arith.constant 0 : i32
        %dma_start3A_470 = tpu.memref_slice %arg5[%add3A_463, %dma_start3A_469] : memref<100x64xi32, #tpu.memory_space<vmem>> -> memref<1x64xi32, #tpu.memory_space<vmem>>
        %dma_start3A_471 = tpu.memref_squeeze %dma_start3A_470 : memref<1x64xi32, #tpu.memory_space<vmem>> -> memref<64xi32, #tpu.memory_space<vmem>>
        %dma_start3A_472 = arith.constant 0 : i32
        %dma_start3A_473 = arith.constant 0 : i32
        %dma_start3A_474 = tpu.memref_slice %arg3[%dma_start3A_472, %dma_start3A_473] : memref<100000x128xf32, #tpu.memory_space<hbm>> -> memref<100000x128xf32, #tpu.memory_space<hbm>>
        tpu.enqueue_indirect_dma source(%dma_start3A_474 : memref<100000x128xf32, #tpu.memory_space<hbm>>) target(%dma_start3A_468 : memref<64x128xf32, #tpu.memory_space<vmem>>) offsets(%dma_start3A_471 : memref<64xi32, #tpu.memory_space<vmem>>) semaphore(%arg9 : memref<!tpu.dma_semaphore, #tpu.memory_space<semaphore_mem>>)
      } else {
      }
      %add3A_363 = arith.constant 0 : i32
      %add3A_364 = arith.addi %mul3A_129, %add3A_363 : i32
      %add3A_365 = arith.constant 3 : i32
      %add3A_366 = arith.addi %add3A_364, %add3A_365 : i32
      %add3A_367 = arith.constant 10 : i32
      %add3A_368 = arith.addi %add3A_366, %add3A_367 : i32
      %lt3A_369 = arith.constant 100 : i32
      %lt3A_370 = arith.cmpi slt, %add3A_368, %lt3A_369 : i32
      %convert_element_type3A_371 = arith.extui %lt3A_370 : i1 to i32
      %cond3A_372 = arith.constant 0 : i32
      %cond3A_373 = arith.cmpi ne, %convert_element_type3A_371, %cond3A_372 : i32
      scf.if %cond3A_373 {
        %add3A_458 = arith.constant 0 : i32
        %add3A_459 = arith.addi %mul3A_129, %add3A_458 : i32
        %add3A_460 = arith.constant 3 : i32
        %add3A_461 = arith.addi %add3A_459, %add3A_460 : i32
        %add3A_462 = arith.constant 10 : i32
        %add3A_463 = arith.addi %add3A_461, %add3A_462 : i32
        %dma_start3A_464 = arith.constant 0 : i32
        %dma_start3A_465 = arith.constant 192 : i32
        %dma_start3A_466 = arith.constant 0 : i32
        %dma_start3A_467 = tpu.memref_slice %arg6[%dma_start3A_464, %dma_start3A_465, %dma_start3A_466] : memref<2x320x128xf32, #tpu.memory_space<vmem>> -> memref<1x64x128xf32, #tpu.memory_space<vmem>>
        %dma_start3A_468 = tpu.memref_squeeze %dma_start3A_467 : memref<1x64x128xf32, #tpu.memory_space<vmem>> -> memref<64x128xf32, #tpu.memory_space<vmem>>
        %dma_start3A_469 = arith.constant 0 : i32
        %dma_start3A_470 = tpu.memref_slice %arg5[%add3A_463, %dma_start3A_469] : memref<100x64xi32, #tpu.memory_space<vmem>> -> memref<1x64xi32, #tpu.memory_space<vmem>>
        %dma_start3A_471 = tpu.memref_squeeze %dma_start3A_470 : memref<1x64xi32, #tpu.memory_space<vmem>> -> memref<64xi32, #tpu.memory_space<vmem>>
        %dma_start3A_472 = arith.constant 0 : i32
        %dma_start3A_473 = arith.constant 0 : i32
        %dma_start3A_474 = tpu.memref_slice %arg3[%dma_start3A_472, %dma_start3A_473] : memref<100000x128xf32, #tpu.memory_space<hbm>> -> memref<100000x128xf32, #tpu.memory_space<hbm>>
        tpu.enqueue_indirect_dma source(%dma_start3A_474 : memref<100000x128xf32, #tpu.memory_space<hbm>>) target(%dma_start3A_468 : memref<64x128xf32, #tpu.memory_space<vmem>>) offsets(%dma_start3A_471 : memref<64xi32, #tpu.memory_space<vmem>>) semaphore(%arg10 : memref<!tpu.dma_semaphore, #tpu.memory_space<semaphore_mem>>)
      } else {
      }
      %add3A_374 = arith.constant 0 : i32
      %add3A_375 = arith.addi %mul3A_129, %add3A_374 : i32
      %add3A_376 = arith.constant 4 : i32
      %add3A_377 = arith.addi %add3A_375, %add3A_376 : i32
      %add3A_378 = arith.constant 10 : i32
      %add3A_379 = arith.addi %add3A_377, %add3A_378 : i32
      %lt3A_380 = arith.constant 100 : i32
      %lt3A_381 = arith.cmpi slt, %add3A_379, %lt3A_380 : i32
      %convert_element_type3A_382 = arith.extui %lt3A_381 : i1 to i32
      %cond3A_383 = arith.constant 0 : i32
      %cond3A_384 = arith.cmpi ne, %convert_element_type3A_382, %cond3A_383 : i32
      scf.if %cond3A_384 {
        %add3A_458 = arith.constant 0 : i32
        %add3A_459 = arith.addi %mul3A_129, %add3A_458 : i32
        %add3A_460 = arith.constant 4 : i32
        %add3A_461 = arith.addi %add3A_459, %add3A_460 : i32
        %add3A_462 = arith.constant 10 : i32
        %add3A_463 = arith.addi %add3A_461, %add3A_462 : i32
        %dma_start3A_464 = arith.constant 0 : i32
        %dma_start3A_465 = arith.constant 256 : i32
        %dma_start3A_466 = arith.constant 0 : i32
        %dma_start3A_467 = tpu.memref_slice %arg6[%dma_start3A_464, %dma_start3A_465, %dma_start3A_466] : memref<2x320x128xf32, #tpu.memory_space<vmem>> -> memref<1x64x128xf32, #tpu.memory_space<vmem>>
        %dma_start3A_468 = tpu.memref_squeeze %dma_start3A_467 : memref<1x64x128xf32, #tpu.memory_space<vmem>> -> memref<64x128xf32, #tpu.memory_space<vmem>>
        %dma_start3A_469 = arith.constant 0 : i32
        %dma_start3A_470 = tpu.memref_slice %arg5[%add3A_463, %dma_start3A_469] : memref<100x64xi32, #tpu.memory_space<vmem>> -> memref<1x64xi32, #tpu.memory_space<vmem>>
        %dma_start3A_471 = tpu.memref_squeeze %dma_start3A_470 : memref<1x64xi32, #tpu.memory_space<vmem>> -> memref<64xi32, #tpu.memory_space<vmem>>
        %dma_start3A_472 = arith.constant 0 : i32
        %dma_start3A_473 = arith.constant 0 : i32
        %dma_start3A_474 = tpu.memref_slice %arg3[%dma_start3A_472, %dma_start3A_473] : memref<100000x128xf32, #tpu.memory_space<hbm>> -> memref<100000x128xf32, #tpu.memory_space<hbm>>
        tpu.enqueue_indirect_dma source(%dma_start3A_474 : memref<100000x128xf32, #tpu.memory_space<hbm>>) target(%dma_start3A_468 : memref<64x128xf32, #tpu.memory_space<vmem>>) offsets(%dma_start3A_471 : memref<64xi32, #tpu.memory_space<vmem>>) semaphore(%arg11 : memref<!tpu.dma_semaphore, #tpu.memory_space<semaphore_mem>>)
      } else {
      }
      %add3A_385 = arith.constant 5 : i32
      %add3A_386 = arith.addi %mul3A_129, %add3A_385 : i32
      %mul3A_387 = arith.constant 64 : i32
      %mul3A_388 = arith.muli %add3A_386, %mul3A_387 : i32
      %add3A_389 = arith.addi %mul3A_2, %mul3A_388 : i32
      %dma_wait3A_390 = arith.constant 1 : i32
      %dma_wait3A_391 = arith.constant 0 : i32
      %dma_wait3A_392 = arith.constant 0 : i32
      %dma_wait3A_393 = tpu.memref_slice %arg6[%dma_wait3A_390, %dma_wait3A_391, %dma_wait3A_392] : memref<2x320x128xf32, #tpu.memory_space<vmem>> -> memref<1x320x128xf32, #tpu.memory_space<vmem>>
      %dma_wait3A_394 = tpu.memref_squeeze %dma_wait3A_393 : memref<1x320x128xf32, #tpu.memory_space<vmem>> -> memref<320x128xf32, #tpu.memory_space<vmem>>
      %dma_wait3A_395 = arith.constant 0 : i32
      %dma_wait3A_396 = tpu.memref_slice %arg4[%add3A_389, %dma_wait3A_395] : memref<204800x128xf32, #tpu.memory_space<hbm>> -> memref<320x128xf32, #tpu.memory_space<hbm>>
      %dma_wait3A_397 = arith.constant 0 : i32
      %dma_wait3A_398 = tpu.memref_slice %arg4[%add3A_389, %dma_wait3A_397] : memref<204800x128xf32, #tpu.memory_space<hbm>> -> memref<320x128xf32, #tpu.memory_space<hbm>>
      %dma_wait3A_399 = arith.constant 0 : i32
      %dma_wait3A_400 = arith.constant 0 : i32
      %dma_wait3A_401 = tpu.memref_slice %arg6[%dma_wait3A_390, %dma_wait3A_399, %dma_wait3A_400] : memref<2x320x128xf32, #tpu.memory_space<vmem>> -> memref<1x320x128xf32, #tpu.memory_space<vmem>>
      %dma_wait3A_402 = tpu.memref_squeeze %dma_wait3A_401 : memref<1x320x128xf32, #tpu.memory_space<vmem>> -> memref<320x128xf32, #tpu.memory_space<vmem>>
      tpu.wait_dma2 semaphore(%arg18 : memref<!tpu.dma_semaphore, #tpu.memory_space<semaphore_mem>>) src(%dma_wait3A_402 : memref<320x128xf32, #tpu.memory_space<vmem>>) dst(%dma_wait3A_398 : memref<320x128xf32, #tpu.memory_space<hbm>>)
      %add3A_403 = arith.constant 5 : i32
      %add3A_404 = arith.addi %mul3A_129, %add3A_403 : i32
      %add3A_405 = arith.constant 0 : i32
      %add3A_406 = arith.addi %add3A_404, %add3A_405 : i32
      %add3A_407 = arith.constant 10 : i32
      %add3A_408 = arith.addi %add3A_406, %add3A_407 : i32
      %lt3A_409 = arith.constant 100 : i32
      %lt3A_410 = arith.cmpi slt, %add3A_408, %lt3A_409 : i32
      %convert_element_type3A_411 = arith.extui %lt3A_410 : i1 to i32
      %cond3A_412 = arith.constant 0 : i32
      %cond3A_413 = arith.cmpi ne, %convert_element_type3A_411, %cond3A_412 : i32
      scf.if %cond3A_413 {
        %add3A_458 = arith.constant 5 : i32
        %add3A_459 = arith.addi %mul3A_129, %add3A_458 : i32
        %add3A_460 = arith.constant 0 : i32
        %add3A_461 = arith.addi %add3A_459, %add3A_460 : i32
        %add3A_462 = arith.constant 10 : i32
        %add3A_463 = arith.addi %add3A_461, %add3A_462 : i32
        %dma_start3A_464 = arith.constant 1 : i32
        %dma_start3A_465 = arith.constant 0 : i32
        %dma_start3A_466 = arith.constant 0 : i32
        %dma_start3A_467 = tpu.memref_slice %arg6[%dma_start3A_464, %dma_start3A_465, %dma_start3A_466] : memref<2x320x128xf32, #tpu.memory_space<vmem>> -> memref<1x64x128xf32, #tpu.memory_space<vmem>>
        %dma_start3A_468 = tpu.memref_squeeze %dma_start3A_467 : memref<1x64x128xf32, #tpu.memory_space<vmem>> -> memref<64x128xf32, #tpu.memory_space<vmem>>
        %dma_start3A_469 = arith.constant 0 : i32
        %dma_start3A_470 = tpu.memref_slice %arg5[%add3A_463, %dma_start3A_469] : memref<100x64xi32, #tpu.memory_space<vmem>> -> memref<1x64xi32, #tpu.memory_space<vmem>>
        %dma_start3A_471 = tpu.memref_squeeze %dma_start3A_470 : memref<1x64xi32, #tpu.memory_space<vmem>> -> memref<64xi32, #tpu.memory_space<vmem>>
        %dma_start3A_472 = arith.constant 0 : i32
        %dma_start3A_473 = arith.constant 0 : i32
        %dma_start3A_474 = tpu.memref_slice %arg3[%dma_start3A_472, %dma_start3A_473] : memref<100000x128xf32, #tpu.memory_space<hbm>> -> memref<100000x128xf32, #tpu.memory_space<hbm>>
        tpu.enqueue_indirect_dma source(%dma_start3A_474 : memref<100000x128xf32, #tpu.memory_space<hbm>>) target(%dma_start3A_468 : memref<64x128xf32, #tpu.memory_space<vmem>>) offsets(%dma_start3A_471 : memref<64xi32, #tpu.memory_space<vmem>>) semaphore(%arg12 : memref<!tpu.dma_semaphore, #tpu.memory_space<semaphore_mem>>)
      } else {
      }
      %add3A_414 = arith.constant 5 : i32
      %add3A_415 = arith.addi %mul3A_129, %add3A_414 : i32
      %add3A_416 = arith.constant 1 : i32
      %add3A_417 = arith.addi %add3A_415, %add3A_416 : i32
      %add3A_418 = arith.constant 10 : i32
      %add3A_419 = arith.addi %add3A_417, %add3A_418 : i32
      %lt3A_420 = arith.constant 100 : i32
      %lt3A_421 = arith.cmpi slt, %add3A_419, %lt3A_420 : i32
      %convert_element_type3A_422 = arith.extui %lt3A_421 : i1 to i32
      %cond3A_423 = arith.constant 0 : i32
      %cond3A_424 = arith.cmpi ne, %convert_element_type3A_422, %cond3A_423 : i32
      scf.if %cond3A_424 {
        %add3A_458 = arith.constant 5 : i32
        %add3A_459 = arith.addi %mul3A_129, %add3A_458 : i32
        %add3A_460 = arith.constant 1 : i32
        %add3A_461 = arith.addi %add3A_459, %add3A_460 : i32
        %add3A_462 = arith.constant 10 : i32
        %add3A_463 = arith.addi %add3A_461, %add3A_462 : i32
        %dma_start3A_464 = arith.constant 1 : i32
        %dma_start3A_465 = arith.constant 64 : i32
        %dma_start3A_466 = arith.constant 0 : i32
        %dma_start3A_467 = tpu.memref_slice %arg6[%dma_start3A_464, %dma_start3A_465, %dma_start3A_466] : memref<2x320x128xf32, #tpu.memory_space<vmem>> -> memref<1x64x128xf32, #tpu.memory_space<vmem>>
        %dma_start3A_468 = tpu.memref_squeeze %dma_start3A_467 : memref<1x64x128xf32, #tpu.memory_space<vmem>> -> memref<64x128xf32, #tpu.memory_space<vmem>>
        %dma_start3A_469 = arith.constant 0 : i32
        %dma_start3A_470 = tpu.memref_slice %arg5[%add3A_463, %dma_start3A_469] : memref<100x64xi32, #tpu.memory_space<vmem>> -> memref<1x64xi32, #tpu.memory_space<vmem>>
        %dma_start3A_471 = tpu.memref_squeeze %dma_start3A_470 : memref<1x64xi32, #tpu.memory_space<vmem>> -> memref<64xi32, #tpu.memory_space<vmem>>
        %dma_start3A_472 = arith.constant 0 : i32
        %dma_start3A_473 = arith.constant 0 : i32
        %dma_start3A_474 = tpu.memref_slice %arg3[%dma_start3A_472, %dma_start3A_473] : memref<100000x128xf32, #tpu.memory_space<hbm>> -> memref<100000x128xf32, #tpu.memory_space<hbm>>
        tpu.enqueue_indirect_dma source(%dma_start3A_474 : memref<100000x128xf32, #tpu.memory_space<hbm>>) target(%dma_start3A_468 : memref<64x128xf32, #tpu.memory_space<vmem>>) offsets(%dma_start3A_471 : memref<64xi32, #tpu.memory_space<vmem>>) semaphore(%arg13 : memref<!tpu.dma_semaphore, #tpu.memory_space<semaphore_mem>>)
      } else {
      }
      %add3A_425 = arith.constant 5 : i32
      %add3A_426 = arith.addi %mul3A_129, %add3A_425 : i32
      %add3A_427 = arith.constant 2 : i32
      %add3A_428 = arith.addi %add3A_426, %add3A_427 : i32
      %add3A_429 = arith.constant 10 : i32
      %add3A_430 = arith.addi %add3A_428, %add3A_429 : i32
      %lt3A_431 = arith.constant 100 : i32
      %lt3A_432 = arith.cmpi slt, %add3A_430, %lt3A_431 : i32
      %convert_element_type3A_433 = arith.extui %lt3A_432 : i1 to i32
      %cond3A_434 = arith.constant 0 : i32
      %cond3A_435 = arith.cmpi ne, %convert_element_type3A_433, %cond3A_434 : i32
      scf.if %cond3A_435 {
        %add3A_458 = arith.constant 5 : i32
        %add3A_459 = arith.addi %mul3A_129, %add3A_458 : i32
        %add3A_460 = arith.constant 2 : i32
        %add3A_461 = arith.addi %add3A_459, %add3A_460 : i32
        %add3A_462 = arith.constant 10 : i32
        %add3A_463 = arith.addi %add3A_461, %add3A_462 : i32
        %dma_start3A_464 = arith.constant 1 : i32
        %dma_start3A_465 = arith.constant 128 : i32
        %dma_start3A_466 = arith.constant 0 : i32
        %dma_start3A_467 = tpu.memref_slice %arg6[%dma_start3A_464, %dma_start3A_465, %dma_start3A_466] : memref<2x320x128xf32, #tpu.memory_space<vmem>> -> memref<1x64x128xf32, #tpu.memory_space<vmem>>
        %dma_start3A_468 = tpu.memref_squeeze %dma_start3A_467 : memref<1x64x128xf32, #tpu.memory_space<vmem>> -> memref<64x128xf32, #tpu.memory_space<vmem>>
        %dma_start3A_469 = arith.constant 0 : i32
        %dma_start3A_470 = tpu.memref_slice %arg5[%add3A_463, %dma_start3A_469] : memref<100x64xi32, #tpu.memory_space<vmem>> -> memref<1x64xi32, #tpu.memory_space<vmem>>
        %dma_start3A_471 = tpu.memref_squeeze %dma_start3A_470 : memref<1x64xi32, #tpu.memory_space<vmem>> -> memref<64xi32, #tpu.memory_space<vmem>>
        %dma_start3A_472 = arith.constant 0 : i32
        %dma_start3A_473 = arith.constant 0 : i32
        %dma_start3A_474 = tpu.memref_slice %arg3[%dma_start3A_472, %dma_start3A_473] : memref<100000x128xf32, #tpu.memory_space<hbm>> -> memref<100000x128xf32, #tpu.memory_space<hbm>>
        tpu.enqueue_indirect_dma source(%dma_start3A_474 : memref<100000x128xf32, #tpu.memory_space<hbm>>) target(%dma_start3A_468 : memref<64x128xf32, #tpu.memory_space<vmem>>) offsets(%dma_start3A_471 : memref<64xi32, #tpu.memory_space<vmem>>) semaphore(%arg14 : memref<!tpu.dma_semaphore, #tpu.memory_space<semaphore_mem>>)
      } else {
      }
      %add3A_436 = arith.constant 5 : i32
      %add3A_437 = arith.addi %mul3A_129, %add3A_436 : i32
      %add3A_438 = arith.constant 3 : i32
      %add3A_439 = arith.addi %add3A_437, %add3A_438 : i32
      %add3A_440 = arith.constant 10 : i32
      %add3A_441 = arith.addi %add3A_439, %add3A_440 : i32
      %lt3A_442 = arith.constant 100 : i32
      %lt3A_443 = arith.cmpi slt, %add3A_441, %lt3A_442 : i32
      %convert_element_type3A_444 = arith.extui %lt3A_443 : i1 to i32
      %cond3A_445 = arith.constant 0 : i32
      %cond3A_446 = arith.cmpi ne, %convert_element_type3A_444, %cond3A_445 : i32
      scf.if %cond3A_446 {
        %add3A_458 = arith.constant 5 : i32
        %add3A_459 = arith.addi %mul3A_129, %add3A_458 : i32
        %add3A_460 = arith.constant 3 : i32
        %add3A_461 = arith.addi %add3A_459, %add3A_460 : i32
        %add3A_462 = arith.constant 10 : i32
        %add3A_463 = arith.addi %add3A_461, %add3A_462 : i32
        %dma_start3A_464 = arith.constant 1 : i32
        %dma_start3A_465 = arith.constant 192 : i32
        %dma_start3A_466 = arith.constant 0 : i32
        %dma_start3A_467 = tpu.memref_slice %arg6[%dma_start3A_464, %dma_start3A_465, %dma_start3A_466] : memref<2x320x128xf32, #tpu.memory_space<vmem>> -> memref<1x64x128xf32, #tpu.memory_space<vmem>>
        %dma_start3A_468 = tpu.memref_squeeze %dma_start3A_467 : memref<1x64x128xf32, #tpu.memory_space<vmem>> -> memref<64x128xf32, #tpu.memory_space<vmem>>
        %dma_start3A_469 = arith.constant 0 : i32
        %dma_start3A_470 = tpu.memref_slice %arg5[%add3A_463, %dma_start3A_469] : memref<100x64xi32, #tpu.memory_space<vmem>> -> memref<1x64xi32, #tpu.memory_space<vmem>>
        %dma_start3A_471 = tpu.memref_squeeze %dma_start3A_470 : memref<1x64xi32, #tpu.memory_space<vmem>> -> memref<64xi32, #tpu.memory_space<vmem>>
        %dma_start3A_472 = arith.constant 0 : i32
        %dma_start3A_473 = arith.constant 0 : i32
        %dma_start3A_474 = tpu.memref_slice %arg3[%dma_start3A_472, %dma_start3A_473] : memref<100000x128xf32, #tpu.memory_space<hbm>> -> memref<100000x128xf32, #tpu.memory_space<hbm>>
        tpu.enqueue_indirect_dma source(%dma_start3A_474 : memref<100000x128xf32, #tpu.memory_space<hbm>>) target(%dma_start3A_468 : memref<64x128xf32, #tpu.memory_space<vmem>>) offsets(%dma_start3A_471 : memref<64xi32, #tpu.memory_space<vmem>>) semaphore(%arg15 : memref<!tpu.dma_semaphore, #tpu.memory_space<semaphore_mem>>)
      } else {
      }
      %add3A_447 = arith.constant 5 : i32
      %add3A_448 = arith.addi %mul3A_129, %add3A_447 : i32
      %add3A_449 = arith.constant 4 : i32
      %add3A_450 = arith.addi %add3A_448, %add3A_449 : i32
      %add3A_451 = arith.constant 10 : i32
      %add3A_452 = arith.addi %add3A_450, %add3A_451 : i32
      %lt3A_453 = arith.constant 100 : i32
      %lt3A_454 = arith.cmpi slt, %add3A_452, %lt3A_453 : i32
      %convert_element_type3A_455 = arith.extui %lt3A_454 : i1 to i32
      %cond3A_456 = arith.constant 0 : i32
      %cond3A_457 = arith.cmpi ne, %convert_element_type3A_455, %cond3A_456 : i32
      scf.if %cond3A_457 {
        %add3A_458 = arith.constant 5 : i32
        %add3A_459 = arith.addi %mul3A_129, %add3A_458 : i32
        %add3A_460 = arith.constant 4 : i32
        %add3A_461 = arith.addi %add3A_459, %add3A_460 : i32
        %add3A_462 = arith.constant 10 : i32
        %add3A_463 = arith.addi %add3A_461, %add3A_462 : i32
        %dma_start3A_464 = arith.constant 1 : i32
        %dma_start3A_465 = arith.constant 256 : i32
        %dma_start3A_466 = arith.constant 0 : i32
        %dma_start3A_467 = tpu.memref_slice %arg6[%dma_start3A_464, %dma_start3A_465, %dma_start3A_466] : memref<2x320x128xf32, #tpu.memory_space<vmem>> -> memref<1x64x128xf32, #tpu.memory_space<vmem>>
        %dma_start3A_468 = tpu.memref_squeeze %dma_start3A_467 : memref<1x64x128xf32, #tpu.memory_space<vmem>> -> memref<64x128xf32, #tpu.memory_space<vmem>>
        %dma_start3A_469 = arith.constant 0 : i32
        %dma_start3A_470 = tpu.memref_slice %arg5[%add3A_463, %dma_start3A_469] : memref<100x64xi32, #tpu.memory_space<vmem>> -> memref<1x64xi32, #tpu.memory_space<vmem>>
        %dma_start3A_471 = tpu.memref_squeeze %dma_start3A_470 : memref<1x64xi32, #tpu.memory_space<vmem>> -> memref<64xi32, #tpu.memory_space<vmem>>
        %dma_start3A_472 = arith.constant 0 : i32
        %dma_start3A_473 = arith.constant 0 : i32
        %dma_start3A_474 = tpu.memref_slice %arg3[%dma_start3A_472, %dma_start3A_473] : memref<100000x128xf32, #tpu.memory_space<hbm>> -> memref<100000x128xf32, #tpu.memory_space<hbm>>
        tpu.enqueue_indirect_dma source(%dma_start3A_474 : memref<100000x128xf32, #tpu.memory_space<hbm>>) target(%dma_start3A_468 : memref<64x128xf32, #tpu.memory_space<vmem>>) offsets(%dma_start3A_471 : memref<64xi32, #tpu.memory_space<vmem>>) semaphore(%arg16 : memref<!tpu.dma_semaphore, #tpu.memory_space<semaphore_mem>>)
      } else {
      }
    }
    %scan3A_126 = arith.constant 10 : i32
    return
  }
}

</mosaic_0001>

<sc_bundles>
// kernel: kernel.3.cloned.1.call-start
scs
__scs_entry_jumppad:
0x0: {  	(pc) =	sbr.rel $0x88, $3  }
0x1: {  	(tag) =	ssettag $0x0;
	lr =	simm.s32 $0x1  }
0x2: {  	[smem:$0x3F9F] =	sst lr;
	_ =	strace $0xD0000000  }
0x3: {  	_ = 	snop  }
0x4: {  	_ = 	snop  }
0x5: {  	_ = 	snop  }
0x6: {  	_ = 	snop  }
0x7: {  	_ = 	snop  }
__scs_overlays_trampoline_lowered:
0x8: {  	[smem:$0x3FAE] =	sst s0  }
0x9: {  	[smem:$0x3FAF] =	sst s1  }
0xa: {  	[smem:$0x3FB0] =	sst s2  }
0xb: {  	[smem:$0x3FB1] =	sst s3  }
0xc: {  	[smem:$0x3FB2] =	sst s4  }
0xd: {  	[smem:$0x3FB3] =	sst s5  }
0xe: {  	[smem:$0x3FB4] =	sst s6  }
0xf: {  	[smem:$0x3FB5] =	sst s7  }
0x10: {  	[smem:$0x3FB6] =	sst s8  }
0x11: {  	[smem:$0x3FB7] =	sst s9;
	s0 =	simm.s32 @!p0 $0x0  }
0x12: {  	s1 =	sld [smem:$0x3F9D];
	s0 =	simm.s32 @p0 $0x1  }
0x13: {  	[smem:$0x3FB8] =	sst s0;
	s0 =	simm.s32 @!p1 $0x0  }
0x14: {  	s2 =	sld [smem:$0x3F9C];
	s0 =	simm.s32 @p1 $0x1  }
0x15: {  	[smem:$0x3FB9] =	sst s0;
	s0 =	simm.s32 @!p2 $0x0  }
0x16: {  	s3 =	sld [smem:$0x3FDB];
	s0 =	simm.s32 @p2 $0x1  }
0x17: {  	s4 =	simm.s32 $0x1BF5;
	[smem:$0x3FBB] =	sst s0  }
0x18: {  	s0 =	sld [smem:$0x3F9E];
	_ =	swait.ge [sflag:s4], $0x0  }
0x19: {  	s7 =	sld [smem:$0x3F9F]  }
0x1a: {  	s8 =	sadd.s32 $0xFFFFE003, lr  }
0x1b: {  	s9 =	sadd.s32 $0xFFFFFEF7, lr;
	s5 =	simm.s32 $0xFFFFFFFF;
	p2 =	slt.u32 s8, $0xFFFFF086  }
0x1c: {  	p1 =	slt.u32 s9, $0xF7A;
	s5 =	simm.s32 @!p2 $0x0  }
0x1d: {  	s5 =	simm.s32 @p1 $0x1;
	p0 =	seq.s32 s7, s2  }
0x1e: {  	s7 =	smul.u32 @!p0 $0xF7A, s2;
	p2 =	seq.s32 @!p0 s5, $0x0  }
0x1f: {  	s9 =	smul.u32 $0xF7A, s1;
	s8 =	simm.s32 @!p0 $0x1BF5;
	p2 =	por !p2, p0  }
0x20: {  	[sflag:s8] =	ssyncset.s32 @!p0 $0xFFFFF086;
	s6 =	sadd.s32 @!p0 s3, s7;
	s7 =	simm.s32 @!p0 $0x108  }
0x21: {  	s3 =	sadd.s32 s3, s9;
	s6 =	sadd.s32 @!p0 $0x88, s6;
	s7 =	simm.s32 @p2 $0x1082  }
0x22: {  	[simem:s7], [sflag:s8] =	dma.local @!p0 [hbm:s6], $0xF7A  }
0x23: {  	s9 =	sor.u32 $0xD0000000, s2;
	s6 =	simm.s32 $0x108;
	_ =	swait.ge @!p0 [sflag:s8], $0x0  }
0x24: {  	s3 =	sadd.s32 $0x88, s3;
	s6 =	simm.s32 @!p1 $0x1082;
	[sflag:s4] =	ssyncset.s32 $0xFFFFF086  }
0x25: {  	[simem:s6], [sflag:s4] =	dma.local [hbm:s3], $0xF7A  }
0x26: {  	[smem:$0x3F9F] =	sst s1;
	(tag) =	ssettag s2;
	_ =	strace s9  }
0x27: {  	s1 =	sld [smem:$0x3FAF]  }
0x28: {  	s2 =	sld [smem:$0x3FB0]  }
0x29: {  	s4 =	sld [smem:$0x3FB2]  }
0x2a: {  	p0 =	seq.s32 s5, $0x0;
	s5 =	sld [smem:$0x3FB3]  }
0x2b: {  	s6 =	sld [smem:$0x3FB4]  }
0x2c: {  	s7 =	sld [smem:$0x3FB5]  }
0x2d: {  	s3 =	simm.s32 $0x108;
	s8 =	sld [smem:$0x3FB6]  }
0x2e: {  	s3 =	simm.s32 @!p0 $0x1082;
	s9 =	sld [smem:$0x3FB7]  }
0x2f: {  	lr =	sadd.s32 s0, s3;
	s0 =	sld [smem:$0x3FAE]  }
0x30: {  	s3 =	sld [smem:$0x3FB1]  }
0x31: {  	[smem:$0x3FBA] =	sst s10  }
0x32: {  	s10 =	sld [smem:$0x3FB8];
	_ =	sdelay $0x3  }
0x33: {  	p0 =	seq.s32 s10, $0x1;
	s10 =	sld [smem:$0x3FBA];
	_ =	sdelay $0x3  }
0x34: {  	[smem:$0x3FBA] =	sst s10  }
0x35: {  	s10 =	sld [smem:$0x3FB9];
	_ =	sdelay $0x3  }
0x36: {  	p1 =	seq.s32 s10, $0x1;
	s10 =	sld [smem:$0x3FBA];
	_ =	sdelay $0x3  }
0x37: {  	[smem:$0x3FBA] =	sst s10  }
0x38: {  	s10 =	sld [smem:$0x3FBB]  }
0x39: {  	_ = 	snop;
	(pc) =	sbr.ind lr, $3  }
0x3a: {  	_ = 	snop  }
0x3b: {  	_ = 	snop  }
0x3c: {  	p2 =	seq.s32 s10, $0x1;
	s10 =	sld [smem:$0x3FBA]  }
0x3d: {  	_ =	shalt  }
0x3e: {  	_ =	shalt  }
0x3f: {  	_ =	shalt  }
0x40: {  	_ =	shalt  }
0x41: {  	_ =	shalt  }
0x42: {  	_ =	shalt  }
0x43: {  	_ =	shalt  }
0x44: {  	_ =	shalt  }
0x45: {  	_ =	shalt  }
0x46: {  	_ =	shalt  }
0x47: {  	_ =	shalt  }
0x48: {  	_ =	shalt  }
0x49: {  	_ =	shalt  }
0x4a: {  	_ =	shalt  }
0x4b: {  	_ =	shalt  }
0x4c: {  	_ =	shalt  }
0x4d: {  	_ =	shalt  }
0x4e: {  	_ =	shalt  }
0x4f: {  	_ =	shalt  }
0x50: {  	_ =	shalt  }
0x51: {  	_ =	shalt  }
0x52: {  	_ =	shalt  }
0x53: {  	_ =	shalt  }
0x54: {  	_ =	shalt  }
0x55: {  	_ =	shalt  }
0x56: {  	_ =	shalt  }
0x57: {  	_ =	shalt  }
0x58: {  	_ =	shalt  }
0x59: {  	_ =	shalt  }
0x5a: {  	_ =	shalt  }
0x5b: {  	_ =	shalt  }
0x5c: {  	_ =	shalt  }
0x5d: {  	_ =	shalt  }
0x5e: {  	_ =	shalt  }
0x5f: {  	_ =	shalt  }
0x60: {  	_ =	shalt  }
0x61: {  	_ =	shalt  }
0x62: {  	_ =	shalt  }
0x63: {  	_ =	shalt  }
0x64: {  	_ =	shalt  }
0x65: {  	_ =	shalt  }
0x66: {  	_ =	shalt  }
0x67: {  	_ =	shalt  }
0x68: {  	_ =	shalt  }
0x69: {  	_ =	shalt  }
0x6a: {  	_ =	shalt  }
0x6b: {  	_ =	shalt  }
0x6c: {  	_ =	shalt  }
0x6d: {  	_ =	shalt  }
0x6e: {  	_ =	shalt  }
0x6f: {  	_ =	shalt  }
0x70: {  	_ =	shalt  }
0x71: {  	_ =	shalt  }
0x72: {  	_ =	shalt  }
0x73: {  	_ =	shalt  }
0x74: {  	_ =	shalt  }
0x75: {  	_ =	shalt  }
0x76: {  	_ =	shalt  }
0x77: {  	_ =	shalt  }
0x78: {  	_ =	shalt  }
0x79: {  	_ =	shalt  }
0x7a: {  	_ =	shalt  }
0x7b: {  	_ =	shalt  }
0x7c: {  	_ =	shalt  }
0x7d: {  	_ =	shalt  }
0x7e: {  	_ =	shalt  }
0x7f: {  	_ =	shalt  }
0x80: {  	_ =	shalt  }
0x81: {  	_ =	shalt  }
0x82: {  	_ =	shalt  }
0x83: {  	_ =	shalt  }
0x84: {  	_ =	shalt  }
0x85: {  	_ =	shalt  }
0x86: {  	_ =	shalt  }
0x87: {  	_ =	shalt  }
.Lfunc_end0:
.L_simem_size_0:
called_computation_lowered:
.L_overlay_start_0:
0x88: {  	s2 =	sld [smem:$0x3FD9]  }
0x89: {  	s3 =	sld [smem:$0x3FFE];
	_ =	sdelay $0x1  }
0x8a: {  	s1 =	srdreg.scid  }
0x8b: {  	s0 =	sand.u32 $0x1, s1  }
0x8c: {  	s17 =	sshll.u32 s0, $0xA;
	s2 =	sadd.s32 s3, s2  }
0x8d: {  	s2 =	sadd.s32 s2, s17  }
0x8e: {  	[smem:$0x3FC6] =	sst s2  }
0x8f: {  	_ = 	snop  }
0x90: {  	s2 =	sld [smem:$0x3FC8]  }
0x91: {  	s18 =	sld [smem:$0x3FD0];
	(tm) =	ssettm $0x1  }
0x92: {  	s4 =	sld [smem:$0x3FFB];
	_ =	sdelay $0x3  }
0x93: {  	_ =	strace s4  }
0x94: {  	s4 =	sld [smem:$0x3FFC];
	_ =	sdelay $0x3  }
0x95: {  	_ =	strace s4  }
0x96: {  	s4 =	sld [smem:$0x3FFD];
	_ =	sdelay $0x3  }
0x97: {  	_ =	strace s4  }
0x98: {  	_ =	strace $0x8FFFFFFF  }
0x99: {  	s19 =	sld [smem:$0x3FDB];
	_ =	sdelay $0x1  }
0x9a: {  	s5 =	simm.s32 $_scs_section_size  }
0x9b: {  	s6 =	simm.s32 $_size__tile_overlayer_lowered;
	s7 =	simm.s32 $_tile_overlayer_lowered  }
0x9c: {  	s22 =	simm.s32 $0x1BFF;
	s21 =	sshll.u32 s7, $0x1;
	s4 =	sadd.s32 s5, s19  }
0x9d: {  	s8 =	simm.s32 $0x0;
	s20 =	sshll.u32 s6, $0x1;
	s6 =	sadd.s32 s21, s4  }
0x9e: {  	[timem:s8], [sflag:s22] =	dma.local [hbm:s6], s20  }
0x9f: {  	_ =	swait.ge [sflag:s22], s20  }
0xa0: {  	s5 =	ssub.s32 $0x0, s20;
	[sflag:s22] =	ssyncset.done $0x0  }
0xa1: {  	[sflag:s22] =	ssyncadd.s32 s5;
	_ =	sdelay $0x1  }
0xa2: {  	s23 =	simm.s32 $0x1B8B  }
0xa3: {  	_ =	swait.ge [sflag:s23], $0x1  }
0xa4: {  	[sflag:s23] =	ssyncset.done $0x0  }
0xa5: {  	s25 =	simm.s32 $0x1B8E;
	s24 =	sld [smem:$0x3FFE];
	[sflag:s23] =	ssyncadd.s32 $0xFFFFFFFF  }
0xa6: {  	s26 =	simm.s32 $execute0_lowered;
	[smem:$0x3FD2] =	sst s25  }
0xa7: {  	s6 =	sshll.u32 s26, $0x1;
	_ =	strace $0x80000046;
	[dreg:$0x1] =	wrdreg $0xFFFFFFFF  }
0xa8: {  	s28 =	simm.s32 $_size_execute0_lowered;
	s4 =	sadd.s32 s4, s6;
	[dreg:$0x0] =	wrdreg $0x0  }
0xa9: {  	s6 =	sshll.u32 s28, $0x1;
	[dreg:$0x2] =	wrdreg s4  }
0xaa: {  	[dreg:$0x3] =	wrdreg s6  }
0xab: {  	[dreg:$0x4] =	wrdreg $0xC0  }
0xac: {  	_ =	task [dreg:s8], $0x5FFFF  }
0xad: {  	[dreg:$0x1] =	wrdreg $0xFFFFFFFF  }
0xae: {  	[dreg:$0x0] =	wrdreg $0x60  }
0xaf: {  	[dreg:$0x2] =	wrdreg s24  }
0xb0: {  	[dreg:$0x3] =	wrdreg s2  }
0xb1: {  	[dreg:$0x4] =	wrdreg s18  }
0xb2: {  	[dreg:$0x5] =	wrdreg $0x9  }
0xb3: {  	_ =	task.clear_ibuf [dreg:s8], $0x6FFFF;
	_ =	strace $0x90000046  }
0xb4: {  	s29 =	simm.s32 $0x9;
	_ =	strace $0x80000048  }
0xb5: {  	_ =	swait.ge [sflag:s29], $0x1  }
0xb6: {  	[sflag:s29] =	ssyncadd.s32 $0xFFFFFFFF  }
0xb7: {  	_ =	strace $0x90000048  }
0xb8: {  	_ =	sfence  }
0xb9: {  	s30 =	sld [smem:$0x0];
	_ =	sdelay $0x2  }
0xba: {  	s31 =	sshll.u32 s1, $0xD;
	s1 =	sshrl.u32 s1, $0x2  }
0xbb: {  	s3 =	sand.u32 $0x4000, s31;
	s1 =	sadd.s32 s1, s30  }
0xbc: {  	s0 =	sor.u32 s3, s0;
	s1 =	sshll.u32 s1, $0x11  }
0xbd: {  	s0 =	sor.u32 s1, s0  }
0xbe: {  	s0 =	sadd.s32 $0x8F2B, s0  }
0xbf: {  	[sflag:s0] =	ssyncadd.remote.s32 $0x1  }
0xc0: {  	_ =	sfence.sel $0xFFFF  }
0xc1: {  	[dreg:$0x0] =	wrdreg $0xFFFFFFFF;
	(pc) =	sbr.abs _section_cstart, $3  }
0xc2: {  	[dreg:$0x1] =	wrdreg $0xFFFFFFFF  }
0xc3: {  	_ =	task.clear_ibuf [dreg:s8], $0x2FFFF;
	_ =	strace $0x9FFFFFFF  }
0xc4: {  	(tm) =	ssettm $0x7FFFFFFF  }
0xc5: {  	_ =	shalt  }
tec
execute0_lowered:
.L_overlay_start_1:
0x0: {  	(tag) =	ssettag $0x1  }
0x1: {  	s0 =	rddreg [dreg:$0x0];
	s1 =	srdreg.scid  }
0x2: {  	s9 =	stileid.u32;
	s2 =	rddreg [dreg:$0x1]  }
0x3: {  	s4 =	rddreg [dreg:$0x2];
	s10 =	simm.s32 $0x40;
	s11 =	simm.s32 $0x3400  }
0x4: {  	s13 =	simm.s32 $0x5400;
	s15 =	simm.s32 $0x7400;
	s17 =	simm.s32 $0x9400  }
0x5: {  	s19 =	simm.s32 $0xB400;
	s21 =	simm.s32 $0xD400;
	s28 =	simm.s32 $0x13400  }
0x6: {  	s30 =	simm.s32 $0x15400;
	s31 =	simm.s32 $0x1;
	s12 =	simm.s32 $0x4  }
0x7: {  	s14 =	simm.s32 $0x5;
	s16 =	simm.s32 $0x6;
	s18 =	simm.s32 $0x7  }
0x8: {  	s20 =	simm.s32 $0x8;
	s1 =	sand.u32 $0x1, s1;
	s3 =	sshll.u32 s9, $0x1  }
0x9: {  	s22 =	simm.s32 $0x9;
	s9 =	smul.u32 $0x32000, s9;
	s5 =	sor.u32 s1, s3  }
0xa: {  	s29 =	simm.s32 $0xC;
	s3 =	simm.s32 $0x0;
	s6 =	smul.u32 $0x680, s5  }
0xb: {  	s7 =	ssub.s32 $0x2, s1;
	[smem:$0x7FF] =	sst s3;
	s5 =	smul.u32 $0x19000, s5  }
0xc: {  	s1 =	smul.u32 $0x19000, s1;
	s8 =	sshrl.u32 s7, $0x1;
	_ =	strace $0x80000047  }
0xd: {  	s23 =	ssub.s32 s7, s8;
	s0 =	sadd.s32 s6, s0;
	s24 =	sadd.s32 s4, s5  }
0xe: {  	s4 =	sadd.s32 s9, s4;
	s25 =	smax.u32 s23, $0x1;
	s23 =	simm.s32 $0xF400  }
0xf: {  	s0 =	sadd.s32 $0x400, s0;
	[dreg:$0x5] =	wrdreg s25;
	s26 =	sadd.s32 $0x16800, s24  }
0x10: {  	s1 =	sadd.s32 s1, s4;
	s25 =	simm.s32 $0x11400;
	[dreg:$0x4] =	wrdreg s0  }
0x11: {  	s4 =	simm.s32 $0x0;
	[dreg:$0x6] =	wrdreg s26;
	s0 =	sadd.s32 $0x17C00, s24  }
0x12: {  	s8 =	sadd.s32 $0x1400, s1;
	s1 =	simm.s32 $0x2;
	s24 =	simm.s32 $0xA  }
0x13: {  	s26 =	simm.s32 $0xB;
	[dreg:$0x7] =	wrdreg s0;
	s0 =	simm.s32 $0x3  }
.LBB2_1:
0x14: {  	s5 =	rddreg [dreg:$0x4];
	s7 =	simm.s32 $0xD  }
0x15: {  	[tilespmem:s3], [sflag:$0xD] =	stream.linear.gather [hbm4b:s5+s3], $0x3200, $0x38;
	[tilespmem:$0x17400] =	vst v63  }
0x16: {  	_ =	swait.ge [sflag:s7], $0x3200  }
0x17: {  	[sflag:s7] =	ssyncset.done $0x0  }
0x18: {  	[sflag:s7] =	ssyncadd.s32 $0xFFFFCE00  }
0x19: {  	[tilespmem:s11], [sflag:$0x1] =	stream.indirect.gather [hbm4b:s2+s10], $0x80, s3, s10, $0xb8;
	[tilespmem:$0x17400] =	vst v63  }
0x1a: {  	s9 =	simm.s32 $0x80  }
0x1b: {  	[tilespmem:s13], [sflag:$0x2] =	stream.indirect.gather [hbm4b:s2+s10], $0x80, s9, s10, $0xb8;
	[tilespmem:$0x17400] =	vst v63  }
0x1c: {  	s6 =	simm.s32 $0x100  }
0x1d: {  	[tilespmem:s15], [sflag:$0x3] =	stream.indirect.gather [hbm4b:s2+s10], $0x80, s6, s10, $0xb8;
	[tilespmem:$0x17400] =	vst v63  }
0x1e: {  	s7 =	simm.s32 $0x180  }
0x1f: {  	[tilespmem:s17], [sflag:$0x4] =	stream.indirect.gather [hbm4b:s2+s10], $0x80, s7, s10, $0xb8;
	[tilespmem:$0x17400] =	vst v63  }
0x20: {  	s9 =	simm.s32 $0x200  }
0x21: {  	[tilespmem:s19], [sflag:$0x5] =	stream.indirect.gather [hbm4b:s2+s10], $0x80, s9, s10, $0xb8;
	[tilespmem:$0x17400] =	vst v63  }
0x22: {  	s6 =	simm.s32 $0x280  }
0x23: {  	[tilespmem:s21], [sflag:$0x6] =	stream.indirect.gather [hbm4b:s2+s10], $0x80, s6, s10, $0xb8;
	[tilespmem:$0x17400] =	vst v63  }
0x24: {  	s7 =	simm.s32 $0x300  }
0x25: {  	[tilespmem:s23], [sflag:$0x7] =	stream.indirect.gather [hbm4b:s2+s10], $0x80, s7, s10, $0xb8;
	[tilespmem:$0x17400] =	vst v63  }
0x26: {  	s9 =	simm.s32 $0x380  }
0x27: {  	[tilespmem:s25], [sflag:$0x8] =	stream.indirect.gather [hbm4b:s2+s10], $0x80, s9, s10, $0xb8;
	[tilespmem:$0x17400] =	vst v63  }
0x28: {  	s6 =	simm.s32 $0x400  }
0x29: {  	[tilespmem:s28], [sflag:$0x9] =	stream.indirect.gather [hbm4b:s2+s10], $0x80, s6, s10, $0xb8;
	[tilespmem:$0x17400] =	vst v63  }
0x2a: {  	s7 =	simm.s32 $0x480  }
0x2b: {  	[tilespmem:s30], [sflag:$0xA] =	stream.indirect.gather [hbm4b:s2+s10], $0x80, s7, s10, $0xb8;
	[tilespmem:$0x17400] =	vst v63  }
0x2c: {  	_ =	swait.ge [sflag:s31], $0x2000  }
0x2d: {  	[sflag:s31] =	ssyncset.done $0x0  }
0x2e: {  	[sflag:s31] =	ssyncadd.s32 $0xFFFFE000  }
0x2f: {  	_ =	swait.ge [sflag:s1], $0x2000  }
0x30: {  	[sflag:s1] =	ssyncset.done $0x0  }
0x31: {  	[sflag:s1] =	ssyncadd.s32 $0xFFFFE000  }
0x32: {  	_ =	swait.ge [sflag:s0], $0x2000  }
0x33: {  	[sflag:s0] =	ssyncset.done $0x0  }
0x34: {  	[sflag:s0] =	ssyncadd.s32 $0xFFFFE000  }
0x35: {  	_ =	swait.ge [sflag:s12], $0x2000  }
0x36: {  	[sflag:s12] =	ssyncset.done $0x0  }
0x37: {  	[sflag:s12] =	ssyncadd.s32 $0xFFFFE000  }
0x38: {  	_ =	swait.ge [sflag:s14], $0x2000  }
0x39: {  	[sflag:s14] =	ssyncset.done $0x0  }
0x3a: {  	s9 =	sadd.s32 $0xFFFFEC00, s8;
	[sflag:s14] =	ssyncadd.s32 $0xFFFFE000  }
0x3b: {  	[hbm4b:s9+s3] =	stream.linear.scatter [tilespmem:s11], [sflag:$0xB], $0xA000, $0x38;
	[tilespmem:$0x17400] =	vst v63  }
0x3c: {  	_ =	swait.ge [sflag:s16], $0x2000  }
0x3d: {  	[sflag:s16] =	ssyncset.done $0x0  }
0x3e: {  	[sflag:s16] =	ssyncadd.s32 $0xFFFFE000  }
0x3f: {  	_ =	swait.ge [sflag:s18], $0x2000  }
0x40: {  	[sflag:s18] =	ssyncset.done $0x0  }
0x41: {  	[sflag:s18] =	ssyncadd.s32 $0xFFFFE000  }
0x42: {  	_ =	swait.ge [sflag:s20], $0x2000  }
0x43: {  	[sflag:s20] =	ssyncset.done $0x0  }
0x44: {  	[sflag:s20] =	ssyncadd.s32 $0xFFFFE000  }
0x45: {  	_ =	swait.ge [sflag:s22], $0x2000  }
0x46: {  	[sflag:s22] =	ssyncset.done $0x0  }
0x47: {  	[sflag:s22] =	ssyncadd.s32 $0xFFFFE000  }
0x48: {  	_ =	swait.ge [sflag:s24], $0x2000  }
0x49: {  	[sflag:s24] =	ssyncset.done $0x0  }
0x4a: {  	[sflag:s24] =	ssyncadd.s32 $0xFFFFE000  }
0x4b: {  	[hbm4b:s8+s3] =	stream.linear.scatter [tilespmem:s21], [sflag:$0xC], $0xA000, $0x38;
	[tilespmem:$0x17400] =	vst v63  }
0x4c: {  	_ =	swait.ge [sflag:s26], $0xA000  }
0x4d: {  	[sflag:s26] =	ssyncset.done $0x0  }
0x4e: {  	s6 =	simm.s32 $0x500;
	[sflag:s26] =	ssyncadd.s32 $0xFFFF6000  }
0x4f: {  	[tilespmem:s11], [sflag:$0x1] =	stream.indirect.gather [hbm4b:s2+s10], $0x80, s6, s10, $0xb8;
	[tilespmem:$0x17400] =	vst v63  }
0x50: {  	s7 =	simm.s32 $0x580  }
0x51: {  	[tilespmem:s13], [sflag:$0x2] =	stream.indirect.gather [hbm4b:s2+s10], $0x80, s7, s10, $0xb8;
	[tilespmem:$0x17400] =	vst v63  }
0x52: {  	s9 =	simm.s32 $0x600  }
0x53: {  	[tilespmem:s15], [sflag:$0x3] =	stream.indirect.gather [hbm4b:s2+s10], $0x80, s9, s10, $0xb8;
	[tilespmem:$0x17400] =	vst v63  }
0x54: {  	s6 =	simm.s32 $0x680  }
0x55: {  	[tilespmem:s17], [sflag:$0x4] =	stream.indirect.gather [hbm4b:s2+s10], $0x80, s6, s10, $0xb8;
	[tilespmem:$0x17400] =	vst v63  }
0x56: {  	s7 =	simm.s32 $0x700  }
0x57: {  	[tilespmem:s19], [sflag:$0x5] =	stream.indirect.gather [hbm4b:s2+s10], $0x80, s7, s10, $0xb8;
	[tilespmem:$0x17400] =	vst v63  }
0x58: {  	_ =	swait.ge [sflag:s29], $0xA000  }
0x59: {  	[sflag:s29] =	ssyncset.done $0x0  }
0x5a: {  	s9 =	simm.s32 $0x780;
	[sflag:s29] =	ssyncadd.s32 $0xFFFF6000  }
0x5b: {  	[tilespmem:s21], [sflag:$0x6] =	stream.indirect.gather [hbm4b:s2+s10], $0x80, s9, s10, $0xb8;
	[tilespmem:$0x17400] =	vst v63  }
0x5c: {  	s6 =	simm.s32 $0x800  }
0x5d: {  	[tilespmem:s23], [sflag:$0x7] =	stream.indirect.gather [hbm4b:s2+s10], $0x80, s6, s10, $0xb8;
	[tilespmem:$0x17400] =	vst v63  }
0x5e: {  	s5 =	simm.s32 $0x1400;
	s7 =	simm.s32 $0x880  }
0x5f: {  	[tilespmem:s25], [sflag:$0x8] =	stream.indirect.gather [hbm4b:s2+s10], $0x80, s7, s10, $0xb8;
	[tilespmem:$0x17400] =	vst v63  }
0x60: {  	s9 =	simm.s32 $0x900;
	s6 =	sadd.s32 $0x2800, s8;
	s7 =	simm.s32 $0x980  }
0x61: {  	[tilespmem:s28], [sflag:$0x9] =	stream.indirect.gather [hbm4b:s2+s10], $0x80, s9, s10, $0xb8;
	[tilespmem:$0x17400] =	vst v63  }
.LBB2_2:
0x62: {  	[tilespmem:s30], [sflag:$0xA] =	stream.indirect.gather [hbm4b:s2+s10], $0x80, s7, s10, $0xb8;
	[tilespmem:$0x17400] =	vst v63  }
0x63: {  	s7 =	smov.u32 s5  }
0x64: {  	p0 =	sne.s32 s5, $0xA000;
	s5 =	sadd.s32 $0x1400, s5;
	_ =	swait.ge [sflag:s31], $0x2000  }
0x65: {  	[sflag:s31] =	ssyncset.done $0x0  }
0x66: {  	[sflag:s31] =	ssyncadd.s32 $0xFFFFE000  }
0x67: {  	_ =	swait.ge [sflag:s1], $0x2000  }
0x68: {  	[sflag:s1] =	ssyncset.done $0x0  }
0x69: {  	[sflag:s1] =	ssyncadd.s32 $0xFFFFE000  }
0x6a: {  	_ =	swait.ge [sflag:s0], $0x2000  }
0x6b: {  	[sflag:s0] =	ssyncset.done $0x0  }
0x6c: {  	[sflag:s0] =	ssyncadd.s32 $0xFFFFE000  }
0x6d: {  	_ =	swait.ge [sflag:s12], $0x2000  }
0x6e: {  	[sflag:s12] =	ssyncset.done $0x0  }
0x6f: {  	[sflag:s12] =	ssyncadd.s32 $0xFFFFE000  }
0x70: {  	_ =	swait.ge [sflag:s14], $0x2000  }
0x71: {  	[sflag:s14] =	ssyncset.done $0x0  }
0x72: {  	s9 =	sadd.s32 $0xFFFFEC00, s6;
	[sflag:s14] =	ssyncadd.s32 $0xFFFFE000  }
0x73: {  	[hbm4b:s9+s3] =	stream.linear.scatter [tilespmem:s11], [sflag:$0xB], $0xA000, $0x38;
	[tilespmem:$0x17400] =	vst v63  }
0x74: {  	_ =	swait.ge [sflag:s16], $0x2000  }
0x75: {  	[sflag:s16] =	ssyncset.done $0x0  }
0x76: {  	[sflag:s16] =	ssyncadd.s32 $0xFFFFE000  }
0x77: {  	_ =	swait.ge [sflag:s18], $0x2000  }
0x78: {  	[sflag:s18] =	ssyncset.done $0x0  }
0x79: {  	[sflag:s18] =	ssyncadd.s32 $0xFFFFE000  }
0x7a: {  	_ =	swait.ge [sflag:s20], $0x2000  }
0x7b: {  	[sflag:s20] =	ssyncset.done $0x0  }
0x7c: {  	[sflag:s20] =	ssyncadd.s32 $0xFFFFE000  }
0x7d: {  	_ =	swait.ge [sflag:s22], $0x2000  }
0x7e: {  	[sflag:s22] =	ssyncset.done $0x0  }
0x7f: {  	[sflag:s22] =	ssyncadd.s32 $0xFFFFE000  }
0x80: {  	_ =	swait.ge [sflag:s24], $0x2000  }
0x81: {  	[sflag:s24] =	ssyncset.done $0x0  }
0x82: {  	[sflag:s24] =	ssyncadd.s32 $0xFFFFE000  }
0x83: {  	[hbm4b:s6+s3] =	stream.linear.scatter [tilespmem:s21], [sflag:$0xC], $0xA000, $0x38;
	[tilespmem:$0x17400] =	vst v63  }
0x84: {  	_ =	swait.ge [sflag:s26], $0xA000  }
0x85: {  	s7 =	sshra.s32 s7, $0x2;
	[sflag:s26] =	ssyncset.done $0x0  }
0x86: {  	s9 =	sadd.s32 $0x500, s7;
	[sflag:s26] =	ssyncadd.s32 $0xFFFF6000  }
0x87: {  	[tilespmem:s11], [sflag:$0x1] =	stream.indirect.gather [hbm4b:s2+s10], $0x80, s9, s10, $0xb8;
	[tilespmem:$0x17400] =	vst v63  }
0x88: {  	s9 =	sadd.s32 $0x580, s7  }
0x89: {  	[tilespmem:s13], [sflag:$0x2] =	stream.indirect.gather [hbm4b:s2+s10], $0x80, s9, s10, $0xb8;
	[tilespmem:$0x17400] =	vst v63  }
0x8a: {  	s9 =	sadd.s32 $0x600, s7  }
0x8b: {  	[tilespmem:s15], [sflag:$0x3] =	stream.indirect.gather [hbm4b:s2+s10], $0x80, s9, s10, $0xb8;
	[tilespmem:$0x17400] =	vst v63  }
0x8c: {  	s9 =	sadd.s32 $0x680, s7  }
0x8d: {  	[tilespmem:s17], [sflag:$0x4] =	stream.indirect.gather [hbm4b:s2+s10], $0x80, s9, s10, $0xb8;
	[tilespmem:$0x17400] =	vst v63  }
0x8e: {  	s9 =	sadd.s32 $0x700, s7  }
0x8f: {  	[tilespmem:s19], [sflag:$0x5] =	stream.indirect.gather [hbm4b:s2+s10], $0x80, s9, s10, $0xb8;
	[tilespmem:$0x17400] =	vst v63  }
0x90: {  	_ =	swait.ge [sflag:s29], $0xA000  }
0x91: {  	[sflag:s29] =	ssyncset.done $0x0  }
0x92: {  	s9 =	sadd.s32 $0x780, s7;
	[sflag:s29] =	ssyncadd.s32 $0xFFFF6000  }
0x93: {  	[tilespmem:s21], [sflag:$0x6] =	stream.indirect.gather [hbm4b:s2+s10], $0x80, s9, s10, $0xb8;
	[tilespmem:$0x17400] =	vst v63  }
0x94: {  	s9 =	sadd.s32 $0x800, s7  }
0x95: {  	[tilespmem:s23], [sflag:$0x7] =	stream.indirect.gather [hbm4b:s2+s10], $0x80, s9, s10, $0xb8;
	[tilespmem:$0x17400] =	vst v63  }
.Ltmp0:
0x96: {  	s9 =	sadd.s32 $0x880, s7;
	(pc) =	sbr.rel @p0 .LBB2_2-.Ltmp0, $4  }
0x97: {  	[tilespmem:s25], [sflag:$0x8] =	stream.indirect.gather [hbm4b:s2+s10], $0x80, s9, s10, $0xb8;
	[tilespmem:$0x17400] =	vst v63  }
0x98: {  	s9 =	sadd.s32 $0x900, s7  }
0x99: {  	[tilespmem:s28], [sflag:$0x9] =	stream.indirect.gather [hbm4b:s2+s10], $0x80, s9, s10, $0xb8;
	[tilespmem:$0x17400] =	vst v63  }
0x9a: {  	s6 =	sadd.s32 $0x2800, s6;
	s7 =	sadd.s32 $0x980, s7  }
0x9b: {  	[tilespmem:s30], [sflag:$0xA] =	stream.indirect.gather [hbm4b:s2+s10], $0x80, s7, s10, $0xb8;
	[tilespmem:$0x17400] =	vst v63  }
0x9c: {  	_ =	swait.ge [sflag:s31], $0x2000  }
0x9d: {  	[sflag:s31] =	ssyncset.done $0x0  }
0x9e: {  	[sflag:s31] =	ssyncadd.s32 $0xFFFFE000  }
0x9f: {  	_ =	swait.ge [sflag:s1], $0x2000  }
0xa0: {  	[sflag:s1] =	ssyncset.done $0x0  }
0xa1: {  	[sflag:s1] =	ssyncadd.s32 $0xFFFFE000  }
0xa2: {  	_ =	swait.ge [sflag:s0], $0x2000  }
0xa3: {  	[sflag:s0] =	ssyncset.done $0x0  }
0xa4: {  	[sflag:s0] =	ssyncadd.s32 $0xFFFFE000  }
0xa5: {  	_ =	swait.ge [sflag:s12], $0x2000  }
0xa6: {  	[sflag:s12] =	ssyncset.done $0x0  }
0xa7: {  	[sflag:s12] =	ssyncadd.s32 $0xFFFFE000  }
0xa8: {  	_ =	swait.ge [sflag:s14], $0x2000  }
0xa9: {  	[sflag:s14] =	ssyncset.done $0x0  }
0xaa: {  	s5 =	rddreg [dreg:$0x6];
	[sflag:s14] =	ssyncadd.s32 $0xFFFFE000  }
0xab: {  	[hbm4b:s5+s3] =	stream.linear.scatter [tilespmem:s11], [sflag:$0xB], $0xA000, $0x38;
	[tilespmem:$0x17400] =	vst v63  }
0xac: {  	_ =	swait.ge [sflag:s16], $0x2000  }
0xad: {  	[sflag:s16] =	ssyncset.done $0x0  }
0xae: {  	[sflag:s16] =	ssyncadd.s32 $0xFFFFE000  }
0xaf: {  	_ =	swait.ge [sflag:s18], $0x2000  }
0xb0: {  	[sflag:s18] =	ssyncset.done $0x0  }
0xb1: {  	[sflag:s18] =	ssyncadd.s32 $0xFFFFE000  }
0xb2: {  	_ =	swait.ge [sflag:s20], $0x2000  }
0xb3: {  	[sflag:s20] =	ssyncset.done $0x0  }
0xb4: {  	[sflag:s20] =	ssyncadd.s32 $0xFFFFE000  }
0xb5: {  	_ =	swait.ge [sflag:s22], $0x2000  }
0xb6: {  	[sflag:s22] =	ssyncset.done $0x0  }
0xb7: {  	[sflag:s22] =	ssyncadd.s32 $0xFFFFE000  }
0xb8: {  	_ =	swait.ge [sflag:s24], $0x2000  }
0xb9: {  	[sflag:s24] =	ssyncset.done $0x0  }
0xba: {  	s7 =	rddreg [dreg:$0x7];
	[sflag:s24] =	ssyncadd.s32 $0xFFFFE000  }
0xbb: {  	[hbm4b:s7+s3] =	stream.linear.scatter [tilespmem:s21], [sflag:$0xC], $0xA000, $0x38;
	[tilespmem:$0x17400] =	vst v63  }
0xbc: {  	_ =	swait.ge [sflag:s26], $0xA000  }
0xbd: {  	[sflag:s26] =	ssyncset.done $0x0  }
0xbe: {  	[sflag:s26] =	ssyncadd.s32 $0xFFFF6000  }
0xbf: {  	_ =	swait.ge [sflag:s29], $0xA000  }
0xc0: {  	s4 =	sadd.s32 $0x1, s4;
	s9 =	rddreg [dreg:$0x5]  }
0xc1: {  	p0 =	sne.s32 s4, s9  }
.Ltmp1:
0xc2: {  	_ = 	snop;
	(pc) =	sbr.rel @p0 .LBB2_1-.Ltmp1, $3  }
0xc3: {  	_ =	sdelay $0x1  }
0xc4: {  	[sflag:s29] =	ssyncset.done $0x0  }
0xc5: {  	[sflag:s29] =	ssyncadd.s32 $0xFFFF6000  }
0xc6: {  	_ =	sfence.sel $0x180000  }
0xc7: {  	[bflag:$0x0] =	sbarrier.arrive $0xFFFF  }
0xc8: {  	_ =	strace $0x90000047  }
0xc9: {  	s0 =	stileid.u32;
	[bflag:$0x2] =	sbarrier.arrive $0xFFFF  }
0xca: {  	p0 =	sne.s32 s0, $0x0;
	s0 =	rddreg [dreg:$0x3]  }
0xcb: {  	s0 =	sadd.s32 @!p0 $0x100000, s0  }
0xcc: {  	[sflag:s0] =	ssyncadd.tile.s32 @!p0 $0x1;
	_ =	shalt  }
.Lfunc_end2:
_tile_overlayer_lowered:
.L_overlay_start_2:
0xcd: {  	(tag) =	ssettag $0x2  }
0xce: {  	s0 =	rddreg [dreg:$0x0];
	s2 =	stileid.u32  }
0xcf: {  	s1 =	rddreg [dreg:$0x1];
	p0 =	sne.s32 s2, $0x0  }
0xd0: {  	s3 =	rddreg [dreg:$0x2];
	[bflag:$0x3] =	sbarrier.arrive $0xFFFF;
	s2 =	simm.s32 @!p0 $0x1C0D  }
0xd1: {  	[timem:s3], [sflag:s2] =	dma.local @!p0 [hbm:s0], s1  }
0xd2: {  	s0 =	simm.s32 @!p0 $0xD  }
0xd3: {  	_ =	swait.ge @!p0 [sflag:s0], s1  }
0xd4: {  	s1 =	ssub.s32 @!p0 $0x0, s1;
	[sflag:s0] =	ssyncset.done @!p0 $0x0  }
0xd5: {  	[sflag:s0] =	ssyncadd.s32 @!p0 s1  }
0xd6: {  	[bflag:$0x3] =	sbarrier.arrive $0xFFFF  }
0xd7: {  	_ =	shalt  }

</sc_bundles>
